<compile_context>
chip_gen: v7x
topology: tpu7x:2x2x1
jax: 0.10.2.dev20260603
libtpu: 0.0.44.dev20260713+nightly
codegen_flags: <defaults>
</compile_context>

<pallas_src>
import functools

import jax
import jax.numpy as jnp
from jax import lax
from jax.experimental import pallas as pl
from jax.experimental.pallas import tpu as pltpu
from jax.experimental.pallas import tpu_sc as plsc

N = 10000
E = 640000
D = 128
NTILES = 16
CHUNK = 128
NCHUNK = 320
IDXB = 16
NSTAGE = NCHUNK // IDXB
EPAD = NTILES * NCHUNK * CHUNK
NROWS = 10240
ROWS_PER_TILE = NROWS // NTILES

_INV_SQRT2 = 0.7071067811865475


def _h2_body(x_ref, o_ref):
    x = x_ref[...]
    o_ref[...] = (x * x - 1.0) * _INV_SQRT2


def _h2(features):
    return pl.pallas_call(
        _h2_body,
        out_shape=jax.ShapeDtypeStruct((N, D), jnp.float32),
        grid=(10,),
        in_specs=[pl.BlockSpec((N // 10, D), lambda i: (i, 0))],
        out_specs=pl.BlockSpec((N // 10, D), lambda i: (i, 0)),
    )(features)


@functools.partial(
    pl.kernel,
    mesh=plsc.VectorSubcoreMesh(core_axis_name="c", subcore_axis_name="s"),
    out_type=[
        jax.ShapeDtypeStruct((NROWS, D), jnp.float32),
        jax.ShapeDtypeStruct((NROWS, D), jnp.float32),
    ],
    scratch_types=[
        pltpu.VMEM((IDXB, CHUNK), jnp.int32),
        pltpu.VMEM((IDXB, CHUNK), jnp.int32),
        pltpu.VMEM((2, CHUNK, D), jnp.float32),
        pltpu.VMEM_SHARED((NROWS, D), jnp.float32),
        pltpu.SemaphoreType.DMA((2,)),
    ],
)
def _sc_scatter(feat_hbm, h2_hbm, src_hbm, dst_hbm, zero_hbm,
                out1, out2, sidx, didx, rows, acc_sh, gsem):
    c = lax.axis_index("c")
    s = lax.axis_index("s")

    pltpu.sync_copy(zero_hbm, rows.at[0])
    for k in range(ROWS_PER_TILE // CHUNK):
        pltpu.sync_copy(
            rows.at[0], acc_sh.at[pl.ds(s * ROWS_PER_TILE + k * CHUNK, CHUNK)])
    plsc.subcore_barrier()

    def gather_start(jj, b):
        idxrow = sidx.at[jj]

        @pl.when(c == 0)
        def _():
            pltpu.async_copy(feat_hbm.at[idxrow], rows.at[b], gsem.at[b])

        @pl.when(c == 1)
        def _():
            pltpu.async_copy(h2_hbm.at[idxrow], rows.at[b], gsem.at[b])

    def stage(g, carry):
        pltpu.sync_copy(src_hbm.at[s, pl.ds(g * IDXB, IDXB)], sidx)
        pltpu.sync_copy(dst_hbm.at[s, pl.ds(g * IDXB, IDXB)], didx)
        gather_start(0, 0)

        def inner(jj, carry2):
            b = lax.rem(jj, 2)

            @pl.when(jj < IDXB - 1)
            def _():
                gather_start(jj + 1, lax.rem(jj + 1, 2))

            pltpu.make_async_copy(
                feat_hbm.at[sidx.at[jj]], rows.at[b], gsem.at[b]).wait()
            pltpu.sync_copy(rows.at[b], acc_sh.at[didx.at[jj]], add=True)
            return carry2

        lax.fori_loop(0, IDXB, inner, 0)
        return carry

    lax.fori_loop(0, NSTAGE, stage, 0)
    plsc.subcore_barrier()

    r0 = s * ROWS_PER_TILE

    @pl.when(c == 0)
    def _():
        pltpu.sync_copy(acc_sh.at[pl.ds(r0, ROWS_PER_TILE)],
                        out1.at[pl.ds(r0, ROWS_PER_TILE)])

    @pl.when(c == 1)
    def _():
        pltpu.sync_copy(acc_sh.at[pl.ds(r0, ROWS_PER_TILE)],
                        out2.at[pl.ds(r0, ROWS_PER_TILE)])


def kernel(features, edge_index):
    h2 = _h2(features)
    src = edge_index[0].astype(jnp.int32)
    dst = edge_index[1].astype(jnp.int32)
    pad = EPAD - E
    src_p = jnp.concatenate([src, jnp.zeros((pad,), jnp.int32)])
    dst_p = jnp.concatenate([dst, jnp.full((pad,), N, jnp.int32)])
    src3 = src_p.reshape(NTILES, NCHUNK, CHUNK)
    dst3 = dst_p.reshape(NTILES, NCHUNK, CHUNK)
    zero = jnp.zeros((CHUNK, D), jnp.float32)
    out1, out2 = _sc_scatter(features, h2, src3, dst3, zero)
    return jnp.concatenate([out1[:N], out2[:N]], axis=-1)

# --- scband reference (transcript-rebuilt; emitter-appended) ---
"""Pipeline reference for scband-wlsentry-layer-49065706389961 (READ-ONLY COPY).

The authoritative reference and input builder live on the scoring server;
editing this copy changes nothing except your own understanding.
"""

import jax, jax.numpy as jnp
import numpy as np
import math

N_NODES = 10000
N_EDGES = 640000
IN_DIM = 128
ORDER = 2
SCALE = 1.0

def factorial_odd(k):
    p = 1
    for i in range(3, k + 1, 2):
        p *= i
    return p

def coeffs(up_to):
    means = [1]
    for i in range(1, up_to + 1):
        if i % 2 == 1:
            means.append(0)
        else:
            means.append(factorial_odd(i))
    variances = [1]
    for i in range(1, up_to + 1):
        if i % 2 == 1:
            variances.append(factorial_odd(2 * i))
        else:
            variances.append(factorial_odd(2 * i) - factorial_odd(i) ** 2)
    return means, [math.sqrt(v) for v in variances]

def setup_inputs(seed: int = 0) -> dict:
    key = jax.random.key(seed)
    k1, k2 = jax.random.split(key)
    features = jax.random.normal(k1, (N_NODES, IN_DIM), dtype=jnp.float32)
    edge_index = jax.random.randint(k2, (2, N_EDGES), 0, N_NODES, dtype=jnp.int64)
    return {"features": features, "edge_index": edge_index}

def reference(features, edge_index):
    means, stds = coeffs(ORDER + 1)
    # Hermite-style moment normalization per power
    feature_list = [
        (jnp.power(features, i) - means[i]) / stds[i] * (SCALE ** i)
        for i in range(1, ORDER + 1)
    ]
    h = jnp.concatenate(feature_list, axis=-1)  # [N, in_dim * order]
    src = edge_index[0]
    dst = edge_index[1]
    # DGL update_all(copy_src, sum): for each edge (u, v), message h[u] summed at v
    messages = jnp.take(h, src, axis=0)          # gather  [E, in_dim*order]
    out = jax.ops.segment_sum(messages, dst, num_segments=N_NODES)  # scatter-add
    return out

if __name__ == "__main__":
    import jax
    _d = setup_inputs()
    print(jax.jit(kernel)(*tuple(_d.values())))

</pallas_src>

<mosaic_0001>
#map = affine_map<(d0, d1) -> (0, 0)>
#map1 = affine_map<(d0, d1) -> (0, 0, 0)>
module attributes {stable_mosaic.version = 14 : i64} {
  func.func @_sc_scatter(%arg0: i32, %arg1: i32, %arg2: memref<10000x128xf32, #tpu.memory_space<hbm>>, %arg3: memref<10000x128xf32, #tpu.memory_space<hbm>>, %arg4: memref<16x320x128xi32, #tpu.memory_space<hbm>>, %arg5: memref<16x320x128xi32, #tpu.memory_space<hbm>>, %arg6: memref<128x128xf32, #tpu.memory_space<hbm>>, %arg7: memref<10240x128xf32, #tpu.memory_space<hbm>>, %arg8: memref<10240x128xf32, #tpu.memory_space<hbm>>, %arg9: memref<16x128xi32, #tpu.memory_space<vmem>>, %arg10: memref<16x128xi32, #tpu.memory_space<vmem>>, %arg11: memref<2x128x128xf32, #tpu.memory_space<vmem>>, %arg12: memref<10240x128xf32, #tpu.memory_space<vmem_shared>>, %arg13: memref<2x!tpu.dma_semaphore, #tpu.memory_space<semaphore_mem>>) attributes {dimension_semantics = [#tpu.dimension_semantics<core_parallel>, #tpu.dimension_semantics<subcore_parallel>], iteration_bounds = array<i64: 2, 16>, scalar_prefetch = 0 : i64, scratch_operands = 5 : i64, tpu.core_type = #tpu.core_type<sc_vector_subcore>, window_params = [{transform_indices = #map}, {transform_indices = #map}, {transform_indices = #map1}, {transform_indices = #map1}, {transform_indices = #map}, {transform_indices = #map}, {transform_indices = #map}]} {
    %run_scoped3A = arith.constant 0 : i32
    "tpu.region"() ({
      %run_scoped3A_38 = tpu.sem_alloc : memref<!tpu.dma_semaphore, #tpu.memory_space<semaphore_mem>>
      %dma_start3A = arith.constant 0 : i32
      %dma_start3A_39 = arith.constant 0 : i32
      %dma_start3A_40 = tpu.memref_slice %arg11[%run_scoped3A, %dma_start3A, %dma_start3A_39] : memref<2x128x128xf32, #tpu.memory_space<vmem>> -> memref<1x128x128xf32, #tpu.memory_space<vmem>>
      %dma_start3A_41 = tpu.memref_squeeze %dma_start3A_40 : memref<1x128x128xf32, #tpu.memory_space<vmem>> -> memref<128x128xf32, #tpu.memory_space<vmem>>
      %dma_start3A_42 = arith.constant 0 : i32
      %dma_start3A_43 = arith.constant 0 : i32
      %dma_start3A_44 = tpu.memref_slice %arg11[%run_scoped3A, %dma_start3A_42, %dma_start3A_43] : memref<2x128x128xf32, #tpu.memory_space<vmem>> -> memref<1x128x128xf32, #tpu.memory_space<vmem>>
      %dma_start3A_45 = tpu.memref_squeeze %dma_start3A_44 : memref<1x128x128xf32, #tpu.memory_space<vmem>> -> memref<128x128xf32, #tpu.memory_space<vmem>>
      tpu.enqueue_dma source(%arg6 : memref<128x128xf32, #tpu.memory_space<hbm>>) target(%dma_start3A_45 : memref<128x128xf32, #tpu.memory_space<vmem>>) target_semaphore(%run_scoped3A_38 : memref<!tpu.dma_semaphore, #tpu.memory_space<semaphore_mem>>)
      %dma_wait3A = arith.constant 0 : i32
      %dma_wait3A_46 = arith.constant 0 : i32
      %dma_wait3A_47 = tpu.memref_slice %arg11[%run_scoped3A, %dma_wait3A, %dma_wait3A_46] : memref<2x128x128xf32, #tpu.memory_space<vmem>> -> memref<1x128x128xf32, #tpu.memory_space<vmem>>
      %dma_wait3A_48 = tpu.memref_squeeze %dma_wait3A_47 : memref<1x128x128xf32, #tpu.memory_space<vmem>> -> memref<128x128xf32, #tpu.memory_space<vmem>>
      %dma_wait3A_49 = arith.constant 0 : i32
      %dma_wait3A_50 = arith.constant 0 : i32
      %dma_wait3A_51 = tpu.memref_slice %arg11[%run_scoped3A, %dma_wait3A_49, %dma_wait3A_50] : memref<2x128x128xf32, #tpu.memory_space<vmem>> -> memref<1x128x128xf32, #tpu.memory_space<vmem>>
      %dma_wait3A_52 = tpu.memref_squeeze %dma_wait3A_51 : memref<1x128x128xf32, #tpu.memory_space<vmem>> -> memref<128x128xf32, #tpu.memory_space<vmem>>
      tpu.wait_dma2 semaphore(%run_scoped3A_38 : memref<!tpu.dma_semaphore, #tpu.memory_space<semaphore_mem>>) src(%arg6 : memref<128x128xf32, #tpu.memory_space<hbm>>) dst(%dma_wait3A_52 : memref<128x128xf32, #tpu.memory_space<vmem>>)
      tpu.yield
    }) : () -> ()
    %mul3A = arith.constant 640 : i32
    %mul3A_0 = arith.muli %arg1, %mul3A : i32
    %add3A = arith.constant 0 : i32
    %add3A_1 = arith.addi %mul3A_0, %add3A : i32
    %run_scoped3A_2 = arith.constant 0 : i32
    "tpu.region"() ({
      %run_scoped3A_38 = tpu.sem_alloc : memref<!tpu.dma_semaphore, #tpu.memory_space<semaphore_mem>>
      %dma_start3A = arith.constant 0 : i32
      %dma_start3A_39 = arith.constant 0 : i32
      %dma_start3A_40 = tpu.memref_slice %arg11[%run_scoped3A_2, %dma_start3A, %dma_start3A_39] : memref<2x128x128xf32, #tpu.memory_space<vmem>> -> memref<1x128x128xf32, #tpu.memory_space<vmem>>
      %dma_start3A_41 = tpu.memref_squeeze %dma_start3A_40 : memref<1x128x128xf32, #tpu.memory_space<vmem>> -> memref<128x128xf32, #tpu.memory_space<vmem>>
      %dma_start3A_42 = arith.constant 0 : i32
      %dma_start3A_43 = tpu.memref_slice %arg12[%add3A_1, %dma_start3A_42] : memref<10240x128xf32, #tpu.memory_space<vmem_shared>> -> memref<128x128xf32, #tpu.memory_space<vmem_shared>>
      %dma_start3A_44 = arith.constant 0 : i32
      %dma_start3A_45 = tpu.memref_slice %arg12[%add3A_1, %dma_start3A_44] : memref<10240x128xf32, #tpu.memory_space<vmem_shared>> -> memref<128x128xf32, #tpu.memory_space<vmem_shared>>
      %dma_start3A_46 = arith.constant 0 : i32
      %dma_start3A_47 = arith.constant 0 : i32
      %dma_start3A_48 = tpu.memref_slice %arg11[%run_scoped3A_2, %dma_start3A_46, %dma_start3A_47] : memref<2x128x128xf32, #tpu.memory_space<vmem>> -> memref<1x128x128xf32, #tpu.memory_space<vmem>>
      %dma_start3A_49 = tpu.memref_squeeze %dma_start3A_48 : memref<1x128x128xf32, #tpu.memory_space<vmem>> -> memref<128x128xf32, #tpu.memory_space<vmem>>
      tpu.enqueue_dma source(%dma_start3A_49 : memref<128x128xf32, #tpu.memory_space<vmem>>) target(%dma_start3A_45 : memref<128x128xf32, #tpu.memory_space<vmem_shared>>) target_semaphore(%run_scoped3A_38 : memref<!tpu.dma_semaphore, #tpu.memory_space<semaphore_mem>>)
      %dma_wait3A = arith.constant 0 : i32
      %dma_wait3A_50 = arith.constant 0 : i32
      %dma_wait3A_51 = tpu.memref_slice %arg11[%run_scoped3A_2, %dma_wait3A, %dma_wait3A_50] : memref<2x128x128xf32, #tpu.memory_space<vmem>> -> memref<1x128x128xf32, #tpu.memory_space<vmem>>
      %dma_wait3A_52 = tpu.memref_squeeze %dma_wait3A_51 : memref<1x128x128xf32, #tpu.memory_space<vmem>> -> memref<128x128xf32, #tpu.memory_space<vmem>>
      %dma_wait3A_53 = arith.constant 0 : i32
      %dma_wait3A_54 = tpu.memref_slice %arg12[%add3A_1, %dma_wait3A_53] : memref<10240x128xf32, #tpu.memory_space<vmem_shared>> -> memref<128x128xf32, #tpu.memory_space<vmem_shared>>
      %dma_wait3A_55 = arith.constant 0 : i32
      %dma_wait3A_56 = tpu.memref_slice %arg12[%add3A_1, %dma_wait3A_55] : memref<10240x128xf32, #tpu.memory_space<vmem_shared>> -> memref<128x128xf32, #tpu.memory_space<vmem_shared>>
      %dma_wait3A_57 = arith.constant 0 : i32
      %dma_wait3A_58 = arith.constant 0 : i32
      %dma_wait3A_59 = tpu.memref_slice %arg11[%run_scoped3A_2, %dma_wait3A_57, %dma_wait3A_58] : memref<2x128x128xf32, #tpu.memory_space<vmem>> -> memref<1x128x128xf32, #tpu.memory_space<vmem>>
      %dma_wait3A_60 = tpu.memref_squeeze %dma_wait3A_59 : memref<1x128x128xf32, #tpu.memory_space<vmem>> -> memref<128x128xf32, #tpu.memory_space<vmem>>
      tpu.wait_dma2 semaphore(%run_scoped3A_38 : memref<!tpu.dma_semaphore, #tpu.memory_space<semaphore_mem>>) src(%dma_wait3A_60 : memref<128x128xf32, #tpu.memory_space<vmem>>) dst(%dma_wait3A_56 : memref<128x128xf32, #tpu.memory_space<vmem_shared>>)
      tpu.yield
    }) : () -> ()
    %mul3A_3 = arith.constant 640 : i32
    %mul3A_4 = arith.muli %arg1, %mul3A_3 : i32
    %add3A_5 = arith.constant 128 : i32
    %add3A_6 = arith.addi %mul3A_4, %add3A_5 : i32
    %run_scoped3A_7 = arith.constant 0 : i32
    "tpu.region"() ({
      %run_scoped3A_38 = tpu.sem_alloc : memref<!tpu.dma_semaphore, #tpu.memory_space<semaphore_mem>>
      %dma_start3A = arith.constant 0 : i32
      %dma_start3A_39 = arith.constant 0 : i32
      %dma_start3A_40 = tpu.memref_slice %arg11[%run_scoped3A_7, %dma_start3A, %dma_start3A_39] : memref<2x128x128xf32, #tpu.memory_space<vmem>> -> memref<1x128x128xf32, #tpu.memory_space<vmem>>
      %dma_start3A_41 = tpu.memref_squeeze %dma_start3A_40 : memref<1x128x128xf32, #tpu.memory_space<vmem>> -> memref<128x128xf32, #tpu.memory_space<vmem>>
      %dma_start3A_42 = arith.constant 0 : i32
      %dma_start3A_43 = tpu.memref_slice %arg12[%add3A_6, %dma_start3A_42] : memref<10240x128xf32, #tpu.memory_space<vmem_shared>> -> memref<128x128xf32, #tpu.memory_space<vmem_shared>>
      %dma_start3A_44 = arith.constant 0 : i32
      %dma_start3A_45 = tpu.memref_slice %arg12[%add3A_6, %dma_start3A_44] : memref<10240x128xf32, #tpu.memory_space<vmem_shared>> -> memref<128x128xf32, #tpu.memory_space<vmem_shared>>
      %dma_start3A_46 = arith.constant 0 : i32
      %dma_start3A_47 = arith.constant 0 : i32
      %dma_start3A_48 = tpu.memref_slice %arg11[%run_scoped3A_7, %dma_start3A_46, %dma_start3A_47] : memref<2x128x128xf32, #tpu.memory_space<vmem>> -> memref<1x128x128xf32, #tpu.memory_space<vmem>>
      %dma_start3A_49 = tpu.memref_squeeze %dma_start3A_48 : memref<1x128x128xf32, #tpu.memory_space<vmem>> -> memref<128x128xf32, #tpu.memory_space<vmem>>
      tpu.enqueue_dma source(%dma_start3A_49 : memref<128x128xf32, #tpu.memory_space<vmem>>) target(%dma_start3A_45 : memref<128x128xf32, #tpu.memory_space<vmem_shared>>) target_semaphore(%run_scoped3A_38 : memref<!tpu.dma_semaphore, #tpu.memory_space<semaphore_mem>>)
      %dma_wait3A = arith.constant 0 : i32
      %dma_wait3A_50 = arith.constant 0 : i32
      %dma_wait3A_51 = tpu.memref_slice %arg11[%run_scoped3A_7, %dma_wait3A, %dma_wait3A_50] : memref<2x128x128xf32, #tpu.memory_space<vmem>> -> memref<1x128x128xf32, #tpu.memory_space<vmem>>
      %dma_wait3A_52 = tpu.memref_squeeze %dma_wait3A_51 : memref<1x128x128xf32, #tpu.memory_space<vmem>> -> memref<128x128xf32, #tpu.memory_space<vmem>>
      %dma_wait3A_53 = arith.constant 0 : i32
      %dma_wait3A_54 = tpu.memref_slice %arg12[%add3A_6, %dma_wait3A_53] : memref<10240x128xf32, #tpu.memory_space<vmem_shared>> -> memref<128x128xf32, #tpu.memory_space<vmem_shared>>
      %dma_wait3A_55 = arith.constant 0 : i32
      %dma_wait3A_56 = tpu.memref_slice %arg12[%add3A_6, %dma_wait3A_55] : memref<10240x128xf32, #tpu.memory_space<vmem_shared>> -> memref<128x128xf32, #tpu.memory_space<vmem_shared>>
      %dma_wait3A_57 = arith.constant 0 : i32
      %dma_wait3A_58 = arith.constant 0 : i32
      %dma_wait3A_59 = tpu.memref_slice %arg11[%run_scoped3A_7, %dma_wait3A_57, %dma_wait3A_58] : memref<2x128x128xf32, #tpu.memory_space<vmem>> -> memref<1x128x128xf32, #tpu.memory_space<vmem>>
      %dma_wait3A_60 = tpu.memref_squeeze %dma_wait3A_59 : memref<1x128x128xf32, #tpu.memory_space<vmem>> -> memref<128x128xf32, #tpu.memory_space<vmem>>
      tpu.wait_dma2 semaphore(%run_scoped3A_38 : memref<!tpu.dma_semaphore, #tpu.memory_space<semaphore_mem>>) src(%dma_wait3A_60 : memref<128x128xf32, #tpu.memory_space<vmem>>) dst(%dma_wait3A_56 : memref<128x128xf32, #tpu.memory_space<vmem_shared>>)
      tpu.yield
    }) : () -> ()
    %mul3A_8 = arith.constant 640 : i32
    %mul3A_9 = arith.muli %arg1, %mul3A_8 : i32
    %add3A_10 = arith.constant 256 : i32
    %add3A_11 = arith.addi %mul3A_9, %add3A_10 : i32
    %run_scoped3A_12 = arith.constant 0 : i32
    "tpu.region"() ({
      %run_scoped3A_38 = tpu.sem_alloc : memref<!tpu.dma_semaphore, #tpu.memory_space<semaphore_mem>>
      %dma_start3A = arith.constant 0 : i32
      %dma_start3A_39 = arith.constant 0 : i32
      %dma_start3A_40 = tpu.memref_slice %arg11[%run_scoped3A_12, %dma_start3A, %dma_start3A_39] : memref<2x128x128xf32, #tpu.memory_space<vmem>> -> memref<1x128x128xf32, #tpu.memory_space<vmem>>
      %dma_start3A_41 = tpu.memref_squeeze %dma_start3A_40 : memref<1x128x128xf32, #tpu.memory_space<vmem>> -> memref<128x128xf32, #tpu.memory_space<vmem>>
      %dma_start3A_42 = arith.constant 0 : i32
      %dma_start3A_43 = tpu.memref_slice %arg12[%add3A_11, %dma_start3A_42] : memref<10240x128xf32, #tpu.memory_space<vmem_shared>> -> memref<128x128xf32, #tpu.memory_space<vmem_shared>>
      %dma_start3A_44 = arith.constant 0 : i32
      %dma_start3A_45 = tpu.memref_slice %arg12[%add3A_11, %dma_start3A_44] : memref<10240x128xf32, #tpu.memory_space<vmem_shared>> -> memref<128x128xf32, #tpu.memory_space<vmem_shared>>
      %dma_start3A_46 = arith.constant 0 : i32
      %dma_start3A_47 = arith.constant 0 : i32
      %dma_start3A_48 = tpu.memref_slice %arg11[%run_scoped3A_12, %dma_start3A_46, %dma_start3A_47] : memref<2x128x128xf32, #tpu.memory_space<vmem>> -> memref<1x128x128xf32, #tpu.memory_space<vmem>>
      %dma_start3A_49 = tpu.memref_squeeze %dma_start3A_48 : memref<1x128x128xf32, #tpu.memory_space<vmem>> -> memref<128x128xf32, #tpu.memory_space<vmem>>
      tpu.enqueue_dma source(%dma_start3A_49 : memref<128x128xf32, #tpu.memory_space<vmem>>) target(%dma_start3A_45 : memref<128x128xf32, #tpu.memory_space<vmem_shared>>) target_semaphore(%run_scoped3A_38 : memref<!tpu.dma_semaphore, #tpu.memory_space<semaphore_mem>>)
      %dma_wait3A = arith.constant 0 : i32
      %dma_wait3A_50 = arith.constant 0 : i32
      %dma_wait3A_51 = tpu.memref_slice %arg11[%run_scoped3A_12, %dma_wait3A, %dma_wait3A_50] : memref<2x128x128xf32, #tpu.memory_space<vmem>> -> memref<1x128x128xf32, #tpu.memory_space<vmem>>
      %dma_wait3A_52 = tpu.memref_squeeze %dma_wait3A_51 : memref<1x128x128xf32, #tpu.memory_space<vmem>> -> memref<128x128xf32, #tpu.memory_space<vmem>>
      %dma_wait3A_53 = arith.constant 0 : i32
      %dma_wait3A_54 = tpu.memref_slice %arg12[%add3A_11, %dma_wait3A_53] : memref<10240x128xf32, #tpu.memory_space<vmem_shared>> -> memref<128x128xf32, #tpu.memory_space<vmem_shared>>
      %dma_wait3A_55 = arith.constant 0 : i32
      %dma_wait3A_56 = tpu.memref_slice %arg12[%add3A_11, %dma_wait3A_55] : memref<10240x128xf32, #tpu.memory_space<vmem_shared>> -> memref<128x128xf32, #tpu.memory_space<vmem_shared>>
      %dma_wait3A_57 = arith.constant 0 : i32
      %dma_wait3A_58 = arith.constant 0 : i32
      %dma_wait3A_59 = tpu.memref_slice %arg11[%run_scoped3A_12, %dma_wait3A_57, %dma_wait3A_58] : memref<2x128x128xf32, #tpu.memory_space<vmem>> -> memref<1x128x128xf32, #tpu.memory_space<vmem>>
      %dma_wait3A_60 = tpu.memref_squeeze %dma_wait3A_59 : memref<1x128x128xf32, #tpu.memory_space<vmem>> -> memref<128x128xf32, #tpu.memory_space<vmem>>
      tpu.wait_dma2 semaphore(%run_scoped3A_38 : memref<!tpu.dma_semaphore, #tpu.memory_space<semaphore_mem>>) src(%dma_wait3A_60 : memref<128x128xf32, #tpu.memory_space<vmem>>) dst(%dma_wait3A_56 : memref<128x128xf32, #tpu.memory_space<vmem_shared>>)
      tpu.yield
    }) : () -> ()
    %mul3A_13 = arith.constant 640 : i32
    %mul3A_14 = arith.muli %arg1, %mul3A_13 : i32
    %add3A_15 = arith.constant 384 : i32
    %add3A_16 = arith.addi %mul3A_14, %add3A_15 : i32
    %run_scoped3A_17 = arith.constant 0 : i32
    "tpu.region"() ({
      %run_scoped3A_38 = tpu.sem_alloc : memref<!tpu.dma_semaphore, #tpu.memory_space<semaphore_mem>>
      %dma_start3A = arith.constant 0 : i32
      %dma_start3A_39 = arith.constant 0 : i32
      %dma_start3A_40 = tpu.memref_slice %arg11[%run_scoped3A_17, %dma_start3A, %dma_start3A_39] : memref<2x128x128xf32, #tpu.memory_space<vmem>> -> memref<1x128x128xf32, #tpu.memory_space<vmem>>
      %dma_start3A_41 = tpu.memref_squeeze %dma_start3A_40 : memref<1x128x128xf32, #tpu.memory_space<vmem>> -> memref<128x128xf32, #tpu.memory_space<vmem>>
      %dma_start3A_42 = arith.constant 0 : i32
      %dma_start3A_43 = tpu.memref_slice %arg12[%add3A_16, %dma_start3A_42] : memref<10240x128xf32, #tpu.memory_space<vmem_shared>> -> memref<128x128xf32, #tpu.memory_space<vmem_shared>>
      %dma_start3A_44 = arith.constant 0 : i32
      %dma_start3A_45 = tpu.memref_slice %arg12[%add3A_16, %dma_start3A_44] : memref<10240x128xf32, #tpu.memory_space<vmem_shared>> -> memref<128x128xf32, #tpu.memory_space<vmem_shared>>
      %dma_start3A_46 = arith.constant 0 : i32
      %dma_start3A_47 = arith.constant 0 : i32
      %dma_start3A_48 = tpu.memref_slice %arg11[%run_scoped3A_17, %dma_start3A_46, %dma_start3A_47] : memref<2x128x128xf32, #tpu.memory_space<vmem>> -> memref<1x128x128xf32, #tpu.memory_space<vmem>>
      %dma_start3A_49 = tpu.memref_squeeze %dma_start3A_48 : memref<1x128x128xf32, #tpu.memory_space<vmem>> -> memref<128x128xf32, #tpu.memory_space<vmem>>
      tpu.enqueue_dma source(%dma_start3A_49 : memref<128x128xf32, #tpu.memory_space<vmem>>) target(%dma_start3A_45 : memref<128x128xf32, #tpu.memory_space<vmem_shared>>) target_semaphore(%run_scoped3A_38 : memref<!tpu.dma_semaphore, #tpu.memory_space<semaphore_mem>>)
      %dma_wait3A = arith.constant 0 : i32
      %dma_wait3A_50 = arith.constant 0 : i32
      %dma_wait3A_51 = tpu.memref_slice %arg11[%run_scoped3A_17, %dma_wait3A, %dma_wait3A_50] : memref<2x128x128xf32, #tpu.memory_space<vmem>> -> memref<1x128x128xf32, #tpu.memory_space<vmem>>
      %dma_wait3A_52 = tpu.memref_squeeze %dma_wait3A_51 : memref<1x128x128xf32, #tpu.memory_space<vmem>> -> memref<128x128xf32, #tpu.memory_space<vmem>>
      %dma_wait3A_53 = arith.constant 0 : i32
      %dma_wait3A_54 = tpu.memref_slice %arg12[%add3A_16, %dma_wait3A_53] : memref<10240x128xf32, #tpu.memory_space<vmem_shared>> -> memref<128x128xf32, #tpu.memory_space<vmem_shared>>
      %dma_wait3A_55 = arith.constant 0 : i32
      %dma_wait3A_56 = tpu.memref_slice %arg12[%add3A_16, %dma_wait3A_55] : memref<10240x128xf32, #tpu.memory_space<vmem_shared>> -> memref<128x128xf32, #tpu.memory_space<vmem_shared>>
      %dma_wait3A_57 = arith.constant 0 : i32
      %dma_wait3A_58 = arith.constant 0 : i32
      %dma_wait3A_59 = tpu.memref_slice %arg11[%run_scoped3A_17, %dma_wait3A_57, %dma_wait3A_58] : memref<2x128x128xf32, #tpu.memory_space<vmem>> -> memref<1x128x128xf32, #tpu.memory_space<vmem>>
      %dma_wait3A_60 = tpu.memref_squeeze %dma_wait3A_59 : memref<1x128x128xf32, #tpu.memory_space<vmem>> -> memref<128x128xf32, #tpu.memory_space<vmem>>
      tpu.wait_dma2 semaphore(%run_scoped3A_38 : memref<!tpu.dma_semaphore, #tpu.memory_space<semaphore_mem>>) src(%dma_wait3A_60 : memref<128x128xf32, #tpu.memory_space<vmem>>) dst(%dma_wait3A_56 : memref<128x128xf32, #tpu.memory_space<vmem_shared>>)
      tpu.yield
    }) : () -> ()
    %mul3A_18 = arith.constant 640 : i32
    %mul3A_19 = arith.muli %arg1, %mul3A_18 : i32
    %add3A_20 = arith.constant 512 : i32
    %add3A_21 = arith.addi %mul3A_19, %add3A_20 : i32
    %run_scoped3A_22 = arith.constant 0 : i32
    "tpu.region"() ({
      %run_scoped3A_38 = tpu.sem_alloc : memref<!tpu.dma_semaphore, #tpu.memory_space<semaphore_mem>>
      %dma_start3A = arith.constant 0 : i32
      %dma_start3A_39 = arith.constant 0 : i32
      %dma_start3A_40 = tpu.memref_slice %arg11[%run_scoped3A_22, %dma_start3A, %dma_start3A_39] : memref<2x128x128xf32, #tpu.memory_space<vmem>> -> memref<1x128x128xf32, #tpu.memory_space<vmem>>
      %dma_start3A_41 = tpu.memref_squeeze %dma_start3A_40 : memref<1x128x128xf32, #tpu.memory_space<vmem>> -> memref<128x128xf32, #tpu.memory_space<vmem>>
      %dma_start3A_42 = arith.constant 0 : i32
      %dma_start3A_43 = tpu.memref_slice %arg12[%add3A_21, %dma_start3A_42] : memref<10240x128xf32, #tpu.memory_space<vmem_shared>> -> memref<128x128xf32, #tpu.memory_space<vmem_shared>>
      %dma_start3A_44 = arith.constant 0 : i32
      %dma_start3A_45 = tpu.memref_slice %arg12[%add3A_21, %dma_start3A_44] : memref<10240x128xf32, #tpu.memory_space<vmem_shared>> -> memref<128x128xf32, #tpu.memory_space<vmem_shared>>
      %dma_start3A_46 = arith.constant 0 : i32
      %dma_start3A_47 = arith.constant 0 : i32
      %dma_start3A_48 = tpu.memref_slice %arg11[%run_scoped3A_22, %dma_start3A_46, %dma_start3A_47] : memref<2x128x128xf32, #tpu.memory_space<vmem>> -> memref<1x128x128xf32, #tpu.memory_space<vmem>>
      %dma_start3A_49 = tpu.memref_squeeze %dma_start3A_48 : memref<1x128x128xf32, #tpu.memory_space<vmem>> -> memref<128x128xf32, #tpu.memory_space<vmem>>
      tpu.enqueue_dma source(%dma_start3A_49 : memref<128x128xf32, #tpu.memory_space<vmem>>) target(%dma_start3A_45 : memref<128x128xf32, #tpu.memory_space<vmem_shared>>) target_semaphore(%run_scoped3A_38 : memref<!tpu.dma_semaphore, #tpu.memory_space<semaphore_mem>>)
      %dma_wait3A = arith.constant 0 : i32
      %dma_wait3A_50 = arith.constant 0 : i32
      %dma_wait3A_51 = tpu.memref_slice %arg11[%run_scoped3A_22, %dma_wait3A, %dma_wait3A_50] : memref<2x128x128xf32, #tpu.memory_space<vmem>> -> memref<1x128x128xf32, #tpu.memory_space<vmem>>
      %dma_wait3A_52 = tpu.memref_squeeze %dma_wait3A_51 : memref<1x128x128xf32, #tpu.memory_space<vmem>> -> memref<128x128xf32, #tpu.memory_space<vmem>>
      %dma_wait3A_53 = arith.constant 0 : i32
      %dma_wait3A_54 = tpu.memref_slice %arg12[%add3A_21, %dma_wait3A_53] : memref<10240x128xf32, #tpu.memory_space<vmem_shared>> -> memref<128x128xf32, #tpu.memory_space<vmem_shared>>
      %dma_wait3A_55 = arith.constant 0 : i32
      %dma_wait3A_56 = tpu.memref_slice %arg12[%add3A_21, %dma_wait3A_55] : memref<10240x128xf32, #tpu.memory_space<vmem_shared>> -> memref<128x128xf32, #tpu.memory_space<vmem_shared>>
      %dma_wait3A_57 = arith.constant 0 : i32
      %dma_wait3A_58 = arith.constant 0 : i32
      %dma_wait3A_59 = tpu.memref_slice %arg11[%run_scoped3A_22, %dma_wait3A_57, %dma_wait3A_58] : memref<2x128x128xf32, #tpu.memory_space<vmem>> -> memref<1x128x128xf32, #tpu.memory_space<vmem>>
      %dma_wait3A_60 = tpu.memref_squeeze %dma_wait3A_59 : memref<1x128x128xf32, #tpu.memory_space<vmem>> -> memref<128x128xf32, #tpu.memory_space<vmem>>
      tpu.wait_dma2 semaphore(%run_scoped3A_38 : memref<!tpu.dma_semaphore, #tpu.memory_space<semaphore_mem>>) src(%dma_wait3A_60 : memref<128x128xf32, #tpu.memory_space<vmem>>) dst(%dma_wait3A_56 : memref<128x128xf32, #tpu.memory_space<vmem_shared>>)
      tpu.yield
    }) : () -> ()
    %barrier3A = arith.constant 0 : index
    tpu.barrier barrier_id(%barrier3A)
    %scan3A = arith.constant 0 : i32
    %scan3A_23 = arith.constant 0 : i32
    %scan3A_24 = arith.constant 20 : i32
    %scan3A_25 = arith.addi %scan3A_23, %scan3A_24 : i32
    %scan3A_26 = arith.constant 1 : i32
    scf.for %scan3A_38 = %scan3A_23 to %scan3A_25 step %scan3A_26  : i32 {
      %mul3A_39 = arith.constant 16 : i32
      %mul3A_40 = arith.muli %scan3A_38, %mul3A_39 : i32
      "tpu.region"() ({
        %run_scoped3A_61 = tpu.sem_alloc : memref<!tpu.dma_semaphore, #tpu.memory_space<semaphore_mem>>
        %dma_start3A = arith.constant 0 : i32
        %dma_start3A_62 = tpu.memref_slice %arg4[%arg1, %mul3A_40, %dma_start3A] : memref<16x320x128xi32, #tpu.memory_space<hbm>> -> memref<1x16x128xi32, #tpu.memory_space<hbm>>
        %dma_start3A_63 = tpu.memref_squeeze %dma_start3A_62 : memref<1x16x128xi32, #tpu.memory_space<hbm>> -> memref<16x128xi32, #tpu.memory_space<hbm>>
        %dma_start3A_64 = arith.constant 0 : i32
        %dma_start3A_65 = tpu.memref_slice %arg4[%arg1, %mul3A_40, %dma_start3A_64] : memref<16x320x128xi32, #tpu.memory_space<hbm>> -> memref<1x16x128xi32, #tpu.memory_space<hbm>>
        %dma_start3A_66 = tpu.memref_squeeze %dma_start3A_65 : memref<1x16x128xi32, #tpu.memory_space<hbm>> -> memref<16x128xi32, #tpu.memory_space<hbm>>
        tpu.enqueue_dma source(%dma_start3A_66 : memref<16x128xi32, #tpu.memory_space<hbm>>) target(%arg9 : memref<16x128xi32, #tpu.memory_space<vmem>>) target_semaphore(%run_scoped3A_61 : memref<!tpu.dma_semaphore, #tpu.memory_space<semaphore_mem>>)
        %dma_wait3A = arith.constant 0 : i32
        %dma_wait3A_67 = tpu.memref_slice %arg4[%arg1, %mul3A_40, %dma_wait3A] : memref<16x320x128xi32, #tpu.memory_space<hbm>> -> memref<1x16x128xi32, #tpu.memory_space<hbm>>
        %dma_wait3A_68 = tpu.memref_squeeze %dma_wait3A_67 : memref<1x16x128xi32, #tpu.memory_space<hbm>> -> memref<16x128xi32, #tpu.memory_space<hbm>>
        %dma_wait3A_69 = arith.constant 0 : i32
        %dma_wait3A_70 = tpu.memref_slice %arg4[%arg1, %mul3A_40, %dma_wait3A_69] : memref<16x320x128xi32, #tpu.memory_space<hbm>> -> memref<1x16x128xi32, #tpu.memory_space<hbm>>
        %dma_wait3A_71 = tpu.memref_squeeze %dma_wait3A_70 : memref<1x16x128xi32, #tpu.memory_space<hbm>> -> memref<16x128xi32, #tpu.memory_space<hbm>>
        tpu.wait_dma2 semaphore(%run_scoped3A_61 : memref<!tpu.dma_semaphore, #tpu.memory_space<semaphore_mem>>) src(%dma_wait3A_71 : memref<16x128xi32, #tpu.memory_space<hbm>>) dst(%arg9 : memref<16x128xi32, #tpu.memory_space<vmem>>)
        tpu.yield
      }) : () -> ()
      %mul3A_41 = arith.constant 16 : i32
      %mul3A_42 = arith.muli %scan3A_38, %mul3A_41 : i32
      "tpu.region"() ({
        %run_scoped3A_61 = tpu.sem_alloc : memref<!tpu.dma_semaphore, #tpu.memory_space<semaphore_mem>>
        %dma_start3A = arith.constant 0 : i32
        %dma_start3A_62 = tpu.memref_slice %arg5[%arg1, %mul3A_42, %dma_start3A] : memref<16x320x128xi32, #tpu.memory_space<hbm>> -> memref<1x16x128xi32, #tpu.memory_space<hbm>>
        %dma_start3A_63 = tpu.memref_squeeze %dma_start3A_62 : memref<1x16x128xi32, #tpu.memory_space<hbm>> -> memref<16x128xi32, #tpu.memory_space<hbm>>
        %dma_start3A_64 = arith.constant 0 : i32
        %dma_start3A_65 = tpu.memref_slice %arg5[%arg1, %mul3A_42, %dma_start3A_64] : memref<16x320x128xi32, #tpu.memory_space<hbm>> -> memref<1x16x128xi32, #tpu.memory_space<hbm>>
        %dma_start3A_66 = tpu.memref_squeeze %dma_start3A_65 : memref<1x16x128xi32, #tpu.memory_space<hbm>> -> memref<16x128xi32, #tpu.memory_space<hbm>>
        tpu.enqueue_dma source(%dma_start3A_66 : memref<16x128xi32, #tpu.memory_space<hbm>>) target(%arg10 : memref<16x128xi32, #tpu.memory_space<vmem>>) target_semaphore(%run_scoped3A_61 : memref<!tpu.dma_semaphore, #tpu.memory_space<semaphore_mem>>)
        %dma_wait3A = arith.constant 0 : i32
        %dma_wait3A_67 = tpu.memref_slice %arg5[%arg1, %mul3A_42, %dma_wait3A] : memref<16x320x128xi32, #tpu.memory_space<hbm>> -> memref<1x16x128xi32, #tpu.memory_space<hbm>>
        %dma_wait3A_68 = tpu.memref_squeeze %dma_wait3A_67 : memref<1x16x128xi32, #tpu.memory_space<hbm>> -> memref<16x128xi32, #tpu.memory_space<hbm>>
        %dma_wait3A_69 = arith.constant 0 : i32
        %dma_wait3A_70 = tpu.memref_slice %arg5[%arg1, %mul3A_42, %dma_wait3A_69] : memref<16x320x128xi32, #tpu.memory_space<hbm>> -> memref<1x16x128xi32, #tpu.memory_space<hbm>>
        %dma_wait3A_71 = tpu.memref_squeeze %dma_wait3A_70 : memref<1x16x128xi32, #tpu.memory_space<hbm>> -> memref<16x128xi32, #tpu.memory_space<hbm>>
        tpu.wait_dma2 semaphore(%run_scoped3A_61 : memref<!tpu.dma_semaphore, #tpu.memory_space<semaphore_mem>>) src(%dma_wait3A_71 : memref<16x128xi32, #tpu.memory_space<hbm>>) dst(%arg10 : memref<16x128xi32, #tpu.memory_space<vmem>>)
        tpu.yield
      }) : () -> ()
      %eq3A_43 = arith.constant 0 : i32
      %eq3A_44 = arith.cmpi eq, %arg0, %eq3A_43 : i32
      %convert_element_type3A_45 = arith.extui %eq3A_44 : i1 to i32
      %cond3A_46 = arith.constant 0 : i32
      %cond3A_47 = arith.constant 0 : i32
      %cond3A_48 = arith.cmpi ne, %convert_element_type3A_45, %cond3A_47 : i32
      scf.if %cond3A_48 {
        %dma_start3A = arith.constant 0 : i32
        %dma_start3A_61 = arith.constant 0 : i32
        %dma_start3A_62 = arith.constant 0 : i32
        %dma_start3A_63 = arith.constant 0 : i32
        %dma_start3A_64 = tpu.memref_slice %arg11[%dma_start3A, %dma_start3A_62, %dma_start3A_63] : memref<2x128x128xf32, #tpu.memory_space<vmem>> -> memref<1x128x128xf32, #tpu.memory_space<vmem>>
        %dma_start3A_65 = tpu.memref_squeeze %dma_start3A_64 : memref<1x128x128xf32, #tpu.memory_space<vmem>> -> memref<128x128xf32, #tpu.memory_space<vmem>>
        %dma_start3A_66 = arith.constant 0 : i32
        %dma_start3A_67 = tpu.memref_slice %arg9[%cond3A_46, %dma_start3A_66] : memref<16x128xi32, #tpu.memory_space<vmem>> -> memref<1x128xi32, #tpu.memory_space<vmem>>
        %dma_start3A_68 = tpu.memref_squeeze %dma_start3A_67 : memref<1x128xi32, #tpu.memory_space<vmem>> -> memref<128xi32, #tpu.memory_space<vmem>>
        %dma_start3A_69 = arith.constant 0 : i32
        %dma_start3A_70 = arith.constant 0 : i32
        %dma_start3A_71 = tpu.memref_slice %arg2[%dma_start3A_69, %dma_start3A_70] : memref<10000x128xf32, #tpu.memory_space<hbm>> -> memref<10000x128xf32, #tpu.memory_space<hbm>>
        %dma_start3A_72 = tpu.memref_slice %arg13[%dma_start3A_61] : memref<2x!tpu.dma_semaphore, #tpu.memory_space<semaphore_mem>> -> memref<1x!tpu.dma_semaphore, #tpu.memory_space<semaphore_mem>>
        %dma_start3A_73 = tpu.memref_squeeze %dma_start3A_72 : memref<1x!tpu.dma_semaphore, #tpu.memory_space<semaphore_mem>> -> memref<!tpu.dma_semaphore, #tpu.memory_space<semaphore_mem>>
        tpu.enqueue_indirect_dma source(%dma_start3A_71 : memref<10000x128xf32, #tpu.memory_space<hbm>>) target(%dma_start3A_65 : memref<128x128xf32, #tpu.memory_space<vmem>>) offsets(%dma_start3A_68 : memref<128xi32, #tpu.memory_space<vmem>>) semaphore(%dma_start3A_73 : memref<!tpu.dma_semaphore, #tpu.memory_space<semaphore_mem>>)
      } else {
      }
      %eq3A_49 = arith.constant 1 : i32
      %eq3A_50 = arith.cmpi eq, %arg0, %eq3A_49 : i32
      %convert_element_type3A_51 = arith.extui %eq3A_50 : i1 to i32
      %cond3A_52 = arith.constant 0 : i32
      %cond3A_53 = arith.constant 0 : i32
      %cond3A_54 = arith.cmpi ne, %convert_element_type3A_51, %cond3A_53 : i32
      scf.if %cond3A_54 {
        %dma_start3A = arith.constant 0 : i32
        %dma_start3A_61 = arith.constant 0 : i32
        %dma_start3A_62 = arith.constant 0 : i32
        %dma_start3A_63 = arith.constant 0 : i32
        %dma_start3A_64 = tpu.memref_slice %arg11[%dma_start3A, %dma_start3A_62, %dma_start3A_63] : memref<2x128x128xf32, #tpu.memory_space<vmem>> -> memref<1x128x128xf32, #tpu.memory_space<vmem>>
        %dma_start3A_65 = tpu.memref_squeeze %dma_start3A_64 : memref<1x128x128xf32, #tpu.memory_space<vmem>> -> memref<128x128xf32, #tpu.memory_space<vmem>>
        %dma_start3A_66 = arith.constant 0 : i32
        %dma_start3A_67 = tpu.memref_slice %arg9[%cond3A_52, %dma_start3A_66] : memref<16x128xi32, #tpu.memory_space<vmem>> -> memref<1x128xi32, #tpu.memory_space<vmem>>
        %dma_start3A_68 = tpu.memref_squeeze %dma_start3A_67 : memref<1x128xi32, #tpu.memory_space<vmem>> -> memref<128xi32, #tpu.memory_space<vmem>>
        %dma_start3A_69 = arith.constant 0 : i32
        %dma_start3A_70 = arith.constant 0 : i32
        %dma_start3A_71 = tpu.memref_slice %arg3[%dma_start3A_69, %dma_start3A_70] : memref<10000x128xf32, #tpu.memory_space<hbm>> -> memref<10000x128xf32, #tpu.memory_space<hbm>>
        %dma_start3A_72 = tpu.memref_slice %arg13[%dma_start3A_61] : memref<2x!tpu.dma_semaphore, #tpu.memory_space<semaphore_mem>> -> memref<1x!tpu.dma_semaphore, #tpu.memory_space<semaphore_mem>>
        %dma_start3A_73 = tpu.memref_squeeze %dma_start3A_72 : memref<1x!tpu.dma_semaphore, #tpu.memory_space<semaphore_mem>> -> memref<!tpu.dma_semaphore, #tpu.memory_space<semaphore_mem>>
        tpu.enqueue_indirect_dma source(%dma_start3A_71 : memref<10000x128xf32, #tpu.memory_space<hbm>>) target(%dma_start3A_65 : memref<128x128xf32, #tpu.memory_space<vmem>>) offsets(%dma_start3A_68 : memref<128xi32, #tpu.memory_space<vmem>>) semaphore(%dma_start3A_73 : memref<!tpu.dma_semaphore, #tpu.memory_space<semaphore_mem>>)
      } else {
      }
      %scan3A_55 = arith.constant 0 : i32
      %scan3A_56 = arith.constant 0 : i32
      %scan3A_57 = arith.constant 16 : i32
      %scan3A_58 = arith.addi %scan3A_56, %scan3A_57 : i32
      %scan3A_59 = arith.constant 1 : i32
      scf.for %scan3A_61 = %scan3A_56 to %scan3A_58 step %scan3A_59  : i32 {
        %rem3A = arith.constant 2 : i32
        %rem3A_62 = arith.remsi %scan3A_61, %rem3A : i32
        %lt3A = arith.constant 15 : i32
        %lt3A_63 = arith.cmpi slt, %scan3A_61, %lt3A : i32
        %convert_element_type3A_64 = arith.extui %lt3A_63 : i1 to i32
        %cond3A_65 = arith.constant 0 : i32
        %cond3A_66 = arith.cmpi ne, %convert_element_type3A_64, %cond3A_65 : i32
        scf.if %cond3A_66 {
          %add3A_78 = arith.constant 1 : i32
          %add3A_79 = arith.addi %scan3A_61, %add3A_78 : i32
          %add3A_80 = arith.constant 1 : i32
          %add3A_81 = arith.addi %scan3A_61, %add3A_80 : i32
          %rem3A_82 = arith.constant 2 : i32
          %rem3A_83 = arith.remsi %add3A_81, %rem3A_82 : i32
          %eq3A_84 = arith.constant 0 : i32
          %eq3A_85 = arith.cmpi eq, %arg0, %eq3A_84 : i32
          %convert_element_type3A_86 = arith.extui %eq3A_85 : i1 to i32
          %cond3A_87 = arith.constant 0 : i32
          %cond3A_88 = arith.cmpi ne, %convert_element_type3A_86, %cond3A_87 : i32
          scf.if %cond3A_88 {
            %dma_start3A = arith.constant 0 : i32
            %dma_start3A_94 = arith.constant 0 : i32
            %dma_start3A_95 = tpu.memref_slice %arg11[%rem3A_83, %dma_start3A, %dma_start3A_94] : memref<2x128x128xf32, #tpu.memory_space<vmem>> -> memref<1x128x128xf32, #tpu.memory_space<vmem>>
            %dma_start3A_96 = tpu.memref_squeeze %dma_start3A_95 : memref<1x128x128xf32, #tpu.memory_space<vmem>> -> memref<128x128xf32, #tpu.memory_space<vmem>>
            %dma_start3A_97 = arith.constant 0 : i32
            %dma_start3A_98 = tpu.memref_slice %arg9[%add3A_79, %dma_start3A_97] : memref<16x128xi32, #tpu.memory_space<vmem>> -> memref<1x128xi32, #tpu.memory_space<vmem>>
            %dma_start3A_99 = tpu.memref_squeeze %dma_start3A_98 : memref<1x128xi32, #tpu.memory_space<vmem>> -> memref<128xi32, #tpu.memory_space<vmem>>
            %dma_start3A_100 = arith.constant 0 : i32
            %dma_start3A_101 = arith.constant 0 : i32
            %dma_start3A_102 = tpu.memref_slice %arg2[%dma_start3A_100, %dma_start3A_101] : memref<10000x128xf32, #tpu.memory_space<hbm>> -> memref<10000x128xf32, #tpu.memory_space<hbm>>
            %dma_start3A_103 = tpu.memref_slice %arg13[%rem3A_83] : memref<2x!tpu.dma_semaphore, #tpu.memory_space<semaphore_mem>> -> memref<1x!tpu.dma_semaphore, #tpu.memory_space<semaphore_mem>>
            %dma_start3A_104 = tpu.memref_squeeze %dma_start3A_103 : memref<1x!tpu.dma_semaphore, #tpu.memory_space<semaphore_mem>> -> memref<!tpu.dma_semaphore, #tpu.memory_space<semaphore_mem>>
            tpu.enqueue_indirect_dma source(%dma_start3A_102 : memref<10000x128xf32, #tpu.memory_space<hbm>>) target(%dma_start3A_96 : memref<128x128xf32, #tpu.memory_space<vmem>>) offsets(%dma_start3A_99 : memref<128xi32, #tpu.memory_space<vmem>>) semaphore(%dma_start3A_104 : memref<!tpu.dma_semaphore, #tpu.memory_space<semaphore_mem>>)
          } else {
          }
          %eq3A_89 = arith.constant 1 : i32
          %eq3A_90 = arith.cmpi eq, %arg0, %eq3A_89 : i32
          %convert_element_type3A_91 = arith.extui %eq3A_90 : i1 to i32
          %cond3A_92 = arith.constant 0 : i32
          %cond3A_93 = arith.cmpi ne, %convert_element_type3A_91, %cond3A_92 : i32
          scf.if %cond3A_93 {
            %dma_start3A = arith.constant 0 : i32
            %dma_start3A_94 = arith.constant 0 : i32
            %dma_start3A_95 = tpu.memref_slice %arg11[%rem3A_83, %dma_start3A, %dma_start3A_94] : memref<2x128x128xf32, #tpu.memory_space<vmem>> -> memref<1x128x128xf32, #tpu.memory_space<vmem>>
            %dma_start3A_96 = tpu.memref_squeeze %dma_start3A_95 : memref<1x128x128xf32, #tpu.memory_space<vmem>> -> memref<128x128xf32, #tpu.memory_space<vmem>>
            %dma_start3A_97 = arith.constant 0 : i32
            %dma_start3A_98 = tpu.memref_slice %arg9[%add3A_79, %dma_start3A_97] : memref<16x128xi32, #tpu.memory_space<vmem>> -> memref<1x128xi32, #tpu.memory_space<vmem>>
            %dma_start3A_99 = tpu.memref_squeeze %dma_start3A_98 : memref<1x128xi32, #tpu.memory_space<vmem>> -> memref<128xi32, #tpu.memory_space<vmem>>
            %dma_start3A_100 = arith.constant 0 : i32
            %dma_start3A_101 = arith.constant 0 : i32
            %dma_start3A_102 = tpu.memref_slice %arg3[%dma_start3A_100, %dma_start3A_101] : memref<10000x128xf32, #tpu.memory_space<hbm>> -> memref<10000x128xf32, #tpu.memory_space<hbm>>
            %dma_start3A_103 = tpu.memref_slice %arg13[%rem3A_83] : memref<2x!tpu.dma_semaphore, #tpu.memory_space<semaphore_mem>> -> memref<1x!tpu.dma_semaphore, #tpu.memory_space<semaphore_mem>>
            %dma_start3A_104 = tpu.memref_squeeze %dma_start3A_103 : memref<1x!tpu.dma_semaphore, #tpu.memory_space<semaphore_mem>> -> memref<!tpu.dma_semaphore, #tpu.memory_space<semaphore_mem>>
            tpu.enqueue_indirect_dma source(%dma_start3A_102 : memref<10000x128xf32, #tpu.memory_space<hbm>>) target(%dma_start3A_96 : memref<128x128xf32, #tpu.memory_space<vmem>>) offsets(%dma_start3A_99 : memref<128xi32, #tpu.memory_space<vmem>>) semaphore(%dma_start3A_104 : memref<!tpu.dma_semaphore, #tpu.memory_space<semaphore_mem>>)
          } else {
          }
        } else {
        }
        %dma_wait3A = arith.constant 0 : i32
        %dma_wait3A_67 = arith.constant 0 : i32
        %dma_wait3A_68 = tpu.memref_slice %arg11[%rem3A_62, %dma_wait3A, %dma_wait3A_67] : memref<2x128x128xf32, #tpu.memory_space<vmem>> -> memref<1x128x128xf32, #tpu.memory_space<vmem>>
        %dma_wait3A_69 = tpu.memref_squeeze %dma_wait3A_68 : memref<1x128x128xf32, #tpu.memory_space<vmem>> -> memref<128x128xf32, #tpu.memory_space<vmem>>
        %dma_wait3A_70 = arith.constant 0 : i32
        %dma_wait3A_71 = tpu.memref_slice %arg9[%scan3A_61, %dma_wait3A_70] : memref<16x128xi32, #tpu.memory_space<vmem>> -> memref<1x128xi32, #tpu.memory_space<vmem>>
        %dma_wait3A_72 = tpu.memref_squeeze %dma_wait3A_71 : memref<1x128xi32, #tpu.memory_space<vmem>> -> memref<128xi32, #tpu.memory_space<vmem>>
        %dma_wait3A_73 = arith.constant 0 : i32
        %dma_wait3A_74 = arith.constant 0 : i32
        %dma_wait3A_75 = tpu.memref_slice %arg2[%dma_wait3A_73, %dma_wait3A_74] : memref<10000x128xf32, #tpu.memory_space<hbm>> -> memref<10000x128xf32, #tpu.memory_space<hbm>>
        %dma_wait3A_76 = tpu.memref_slice %arg13[%rem3A_62] : memref<2x!tpu.dma_semaphore, #tpu.memory_space<semaphore_mem>> -> memref<1x!tpu.dma_semaphore, #tpu.memory_space<semaphore_mem>>
        %dma_wait3A_77 = tpu.memref_squeeze %dma_wait3A_76 : memref<1x!tpu.dma_semaphore, #tpu.memory_space<semaphore_mem>> -> memref<!tpu.dma_semaphore, #tpu.memory_space<semaphore_mem>>
        tpu.wait_indirect_dma semaphore(%dma_wait3A_77 : memref<!tpu.dma_semaphore, #tpu.memory_space<semaphore_mem>>) src(%dma_wait3A_75 : memref<10000x128xf32, #tpu.memory_space<hbm>>) dst(%dma_wait3A_69 : memref<128x128xf32, #tpu.memory_space<vmem>>)
        "tpu.region"() ({
          %run_scoped3A_78 = tpu.sem_alloc : memref<!tpu.dma_semaphore, #tpu.memory_space<semaphore_mem>>
          %dma_start3A = arith.constant 0 : i32
          %dma_start3A_79 = arith.constant 0 : i32
          %dma_start3A_80 = tpu.memref_slice %arg11[%rem3A_62, %dma_start3A, %dma_start3A_79] : memref<2x128x128xf32, #tpu.memory_space<vmem>> -> memref<1x128x128xf32, #tpu.memory_space<vmem>>
          %dma_start3A_81 = tpu.memref_squeeze %dma_start3A_80 : memref<1x128x128xf32, #tpu.memory_space<vmem>> -> memref<128x128xf32, #tpu.memory_space<vmem>>
          %dma_start3A_82 = arith.constant 0 : i32
          %dma_start3A_83 = tpu.memref_slice %arg10[%scan3A_61, %dma_start3A_82] : memref<16x128xi32, #tpu.memory_space<vmem>> -> memref<1x128xi32, #tpu.memory_space<vmem>>
          %dma_start3A_84 = tpu.memref_squeeze %dma_start3A_83 : memref<1x128xi32, #tpu.memory_space<vmem>> -> memref<128xi32, #tpu.memory_space<vmem>>
          %dma_start3A_85 = arith.constant 0 : i32
          %dma_start3A_86 = arith.constant 0 : i32
          %dma_start3A_87 = tpu.memref_slice %arg12[%dma_start3A_85, %dma_start3A_86] : memref<10240x128xf32, #tpu.memory_space<vmem_shared>> -> memref<10240x128xf32, #tpu.memory_space<vmem_shared>>
          tpu.enqueue_indirect_dma source(%dma_start3A_81 : memref<128x128xf32, #tpu.memory_space<vmem>>) target(%dma_start3A_87 : memref<10240x128xf32, #tpu.memory_space<vmem_shared>>) offsets(%dma_start3A_84 : memref<128xi32, #tpu.memory_space<vmem>>) semaphore(%run_scoped3A_78 : memref<!tpu.dma_semaphore, #tpu.memory_space<semaphore_mem>>) {add = true}
          %dma_wait3A_88 = arith.constant 0 : i32
          %dma_wait3A_89 = arith.constant 0 : i32
          %dma_wait3A_90 = tpu.memref_slice %arg11[%rem3A_62, %dma_wait3A_88, %dma_wait3A_89] : memref<2x128x128xf32, #tpu.memory_space<vmem>> -> memref<1x128x128xf32, #tpu.memory_space<vmem>>
          %dma_wait3A_91 = tpu.memref_squeeze %dma_wait3A_90 : memref<1x128x128xf32, #tpu.memory_space<vmem>> -> memref<128x128xf32, #tpu.memory_space<vmem>>
          %dma_wait3A_92 = arith.constant 0 : i32
          %dma_wait3A_93 = tpu.memref_slice %arg10[%scan3A_61, %dma_wait3A_92] : memref<16x128xi32, #tpu.memory_space<vmem>> -> memref<1x128xi32, #tpu.memory_space<vmem>>
          %dma_wait3A_94 = tpu.memref_squeeze %dma_wait3A_93 : memref<1x128xi32, #tpu.memory_space<vmem>> -> memref<128xi32, #tpu.memory_space<vmem>>
          %dma_wait3A_95 = arith.constant 0 : i32
          %dma_wait3A_96 = arith.constant 0 : i32
          %dma_wait3A_97 = tpu.memref_slice %arg12[%dma_wait3A_95, %dma_wait3A_96] : memref<10240x128xf32, #tpu.memory_space<vmem_shared>> -> memref<10240x128xf32, #tpu.memory_space<vmem_shared>>
          tpu.wait_indirect_dma semaphore(%run_scoped3A_78 : memref<!tpu.dma_semaphore, #tpu.memory_space<semaphore_mem>>) src(%dma_wait3A_91 : memref<128x128xf32, #tpu.memory_space<vmem>>) dst(%dma_wait3A_97 : memref<10240x128xf32, #tpu.memory_space<vmem_shared>>)
          tpu.yield
        }) : () -> ()
      }
      %scan3A_60 = arith.constant 16 : i32
    }
    %scan3A_27 = arith.constant 20 : i32
    %barrier3A_28 = arith.constant 0 : index
    tpu.barrier barrier_id(%barrier3A_28)
    %mul3A_29 = arith.constant 640 : i32
    %mul3A_30 = arith.muli %arg1, %mul3A_29 : i32
    %eq3A = arith.constant 0 : i32
    %eq3A_31 = arith.cmpi eq, %arg0, %eq3A : i32
    %convert_element_type3A = arith.extui %eq3A_31 : i1 to i32
    %cond3A = arith.constant 0 : i32
    %cond3A_32 = arith.cmpi ne, %convert_element_type3A, %cond3A : i32
    scf.if %cond3A_32 {
      "tpu.region"() ({
        %run_scoped3A_38 = tpu.sem_alloc : memref<!tpu.dma_semaphore, #tpu.memory_space<semaphore_mem>>
        %dma_start3A = arith.constant 0 : i32
        %dma_start3A_39 = tpu.memref_slice %arg7[%mul3A_30, %dma_start3A] : memref<10240x128xf32, #tpu.memory_space<hbm>> -> memref<640x128xf32, #tpu.memory_space<hbm>>
        %dma_start3A_40 = arith.constant 0 : i32
        %dma_start3A_41 = tpu.memref_slice %arg12[%mul3A_30, %dma_start3A_40] : memref<10240x128xf32, #tpu.memory_space<vmem_shared>> -> memref<640x128xf32, #tpu.memory_space<vmem_shared>>
        tpu.enqueue_dma source(%dma_start3A_41 : memref<640x128xf32, #tpu.memory_space<vmem_shared>>) target(%dma_start3A_39 : memref<640x128xf32, #tpu.memory_space<hbm>>) target_semaphore(%run_scoped3A_38 : memref<!tpu.dma_semaphore, #tpu.memory_space<semaphore_mem>>)
        %dma_wait3A = arith.constant 0 : i32
        %dma_wait3A_42 = tpu.memref_slice %arg7[%mul3A_30, %dma_wait3A] : memref<10240x128xf32, #tpu.memory_space<hbm>> -> memref<640x128xf32, #tpu.memory_space<hbm>>
        %dma_wait3A_43 = arith.constant 0 : i32
        %dma_wait3A_44 = tpu.memref_slice %arg12[%mul3A_30, %dma_wait3A_43] : memref<10240x128xf32, #tpu.memory_space<vmem_shared>> -> memref<640x128xf32, #tpu.memory_space<vmem_shared>>
        tpu.wait_dma2 semaphore(%run_scoped3A_38 : memref<!tpu.dma_semaphore, #tpu.memory_space<semaphore_mem>>) src(%dma_wait3A_44 : memref<640x128xf32, #tpu.memory_space<vmem_shared>>) dst(%dma_wait3A_42 : memref<640x128xf32, #tpu.memory_space<hbm>>)
        tpu.yield
      }) : () -> ()
    } else {
    }
    %eq3A_33 = arith.constant 1 : i32
    %eq3A_34 = arith.cmpi eq, %arg0, %eq3A_33 : i32
    %convert_element_type3A_35 = arith.extui %eq3A_34 : i1 to i32
    %cond3A_36 = arith.constant 0 : i32
    %cond3A_37 = arith.cmpi ne, %convert_element_type3A_35, %cond3A_36 : i32
    scf.if %cond3A_37 {
      "tpu.region"() ({
        %run_scoped3A_38 = tpu.sem_alloc : memref<!tpu.dma_semaphore, #tpu.memory_space<semaphore_mem>>
        %dma_start3A = arith.constant 0 : i32
        %dma_start3A_39 = tpu.memref_slice %arg8[%mul3A_30, %dma_start3A] : memref<10240x128xf32, #tpu.memory_space<hbm>> -> memref<640x128xf32, #tpu.memory_space<hbm>>
        %dma_start3A_40 = arith.constant 0 : i32
        %dma_start3A_41 = tpu.memref_slice %arg12[%mul3A_30, %dma_start3A_40] : memref<10240x128xf32, #tpu.memory_space<vmem_shared>> -> memref<640x128xf32, #tpu.memory_space<vmem_shared>>
        tpu.enqueue_dma source(%dma_start3A_41 : memref<640x128xf32, #tpu.memory_space<vmem_shared>>) target(%dma_start3A_39 : memref<640x128xf32, #tpu.memory_space<hbm>>) target_semaphore(%run_scoped3A_38 : memref<!tpu.dma_semaphore, #tpu.memory_space<semaphore_mem>>)
        %dma_wait3A = arith.constant 0 : i32
        %dma_wait3A_42 = tpu.memref_slice %arg8[%mul3A_30, %dma_wait3A] : memref<10240x128xf32, #tpu.memory_space<hbm>> -> memref<640x128xf32, #tpu.memory_space<hbm>>
        %dma_wait3A_43 = arith.constant 0 : i32
        %dma_wait3A_44 = tpu.memref_slice %arg12[%mul3A_30, %dma_wait3A_43] : memref<10240x128xf32, #tpu.memory_space<vmem_shared>> -> memref<640x128xf32, #tpu.memory_space<vmem_shared>>
        tpu.wait_dma2 semaphore(%run_scoped3A_38 : memref<!tpu.dma_semaphore, #tpu.memory_space<semaphore_mem>>) src(%dma_wait3A_44 : memref<640x128xf32, #tpu.memory_space<vmem_shared>>) dst(%dma_wait3A_42 : memref<640x128xf32, #tpu.memory_space<hbm>>)
        tpu.yield
      }) : () -> ()
    } else {
    }
    return
  }
}

module attributes {stable_mosaic.version = 14 : i64} {
  func.func @_h2_body(%arg0: i32, %arg1: memref<1000x128xf32, #tpu.memory_space<vmem>>, %arg2: memref<1000x128xf32, #tpu.memory_space<vmem>>) attributes {dimension_semantics = [#tpu.dimension_semantics<arbitrary>], iteration_bounds = array<i64: 10>, scalar_prefetch = 0 : i64, scratch_operands = 0 : i64, tpu.core_type = #tpu.core_type<tc>, window_params = [{transform_indices = @transform_0, window_bounds = array<i64: 1000, 128>}, {transform_indices = @transform_1, window_bounds = array<i64: 1000, 128>}]} {
    %get3A = arith.constant 0 : index
    %get3A_0 = arith.constant 0 : index
    %get3A_1 = vector.load %arg1[%get3A, %get3A_0] : memref<1000x128xf32, #tpu.memory_space<vmem>>, vector<1000x128xf32>
    %mul3A = arith.mulf %get3A_1, %get3A_1 : vector<1000x128xf32>
    %sub3A = arith.constant 1.000000e+00 : f32
    %sub3A_2 = vector.broadcast %sub3A : f32 to vector<1000x128xf32>
    %sub3A_3 = arith.subf %mul3A, %sub3A_2 : vector<1000x128xf32>
    %mul3A_4 = arith.constant 0.707106769 : f32
    %mul3A_5 = vector.broadcast %mul3A_4 : f32 to vector<1000x128xf32>
    %mul3A_6 = arith.mulf %sub3A_3, %mul3A_5 : vector<1000x128xf32>
    %swap3A = arith.constant 0 : index
    %swap3A_7 = arith.constant 0 : index
    %swap3A_8 = vector.load %arg2[%swap3A, %swap3A_7] : memref<1000x128xf32, #tpu.memory_space<vmem>>, vector<1000x128xf32>
    tpu.vector_store %arg2[%swap3A, %swap3A_7], %mul3A_6 {strides = array<i32>} : memref<1000x128xf32, #tpu.memory_space<vmem>>, vector<1000x128xf32>,
    return
  }
  func.func @transform_0(%arg0: i32) -> (i32, i32) {
    %c0_i32 = arith.constant 0 : i32
    %c0_i32_0 = arith.constant 0 : i32
    return %arg0, %c0_i32 : i32, i32
  }
  func.func @transform_1(%arg0: i32) -> (i32, i32) {
    %c0_i32 = arith.constant 0 : i32
    %c0_i32_0 = arith.constant 0 : i32
    return %arg0, %c0_i32 : i32, i32
  }
}

</mosaic_0001>

<sc_bundles>
// kernel: kernel.4.cloned.1.call-start
scs
__scs_entry_jumppad:
0x0: {  	(pc) =	sbr.rel $0x88, $3  }
0x1: {  	(tag) =	ssettag $0x0;
	lr =	simm.s32 $0x1  }
0x2: {  	[smem:$0x3F9F] =	sst lr;
	_ =	strace $0xD0000000  }
0x3: {  	_ = 	snop  }
0x4: {  	_ = 	snop  }
0x5: {  	_ = 	snop  }
0x6: {  	_ = 	snop  }
0x7: {  	_ = 	snop  }
__scs_overlays_trampoline_lowered:
0x8: {  	[smem:$0x3FAE] =	sst s0  }
0x9: {  	[smem:$0x3FAF] =	sst s1  }
0xa: {  	[smem:$0x3FB0] =	sst s2  }
0xb: {  	[smem:$0x3FB1] =	sst s3  }
0xc: {  	[smem:$0x3FB2] =	sst s4  }
0xd: {  	[smem:$0x3FB3] =	sst s5  }
0xe: {  	[smem:$0x3FB4] =	sst s6  }
0xf: {  	[smem:$0x3FB5] =	sst s7  }
0x10: {  	[smem:$0x3FB6] =	sst s8  }
0x11: {  	[smem:$0x3FB7] =	sst s9;
	s0 =	simm.s32 @!p0 $0x0  }
0x12: {  	s1 =	sld [smem:$0x3F9D];
	s0 =	simm.s32 @p0 $0x1  }
0x13: {  	[smem:$0x3FB8] =	sst s0;
	s0 =	simm.s32 @!p1 $0x0  }
0x14: {  	s2 =	sld [smem:$0x3F9C];
	s0 =	simm.s32 @p1 $0x1  }
0x15: {  	[smem:$0x3FB9] =	sst s0;
	s0 =	simm.s32 @!p2 $0x0  }
0x16: {  	s3 =	sld [smem:$0x3FDB];
	s0 =	simm.s32 @p2 $0x1  }
0x17: {  	s4 =	simm.s32 $0x1BF5;
	[smem:$0x3FBB] =	sst s0  }
0x18: {  	s0 =	sld [smem:$0x3F9E];
	_ =	swait.ge [sflag:s4], $0x0  }
0x19: {  	s7 =	sld [smem:$0x3F9F]  }
0x1a: {  	s8 =	sadd.s32 $0xFFFFE003, lr  }
0x1b: {  	s9 =	sadd.s32 $0xFFFFFEF7, lr;
	s5 =	simm.s32 $0xFFFFFFFF;
	p2 =	slt.u32 s8, $0xFFFFF086  }
0x1c: {  	p1 =	slt.u32 s9, $0xF7A;
	s5 =	simm.s32 @!p2 $0x0  }
0x1d: {  	s5 =	simm.s32 @p1 $0x1;
	p0 =	seq.s32 s7, s2  }
0x1e: {  	s7 =	smul.u32 @!p0 $0xF7A, s2;
	p2 =	seq.s32 @!p0 s5, $0x0  }
0x1f: {  	s9 =	smul.u32 $0xF7A, s1;
	s8 =	simm.s32 @!p0 $0x1BF5;
	p2 =	por !p2, p0  }
0x20: {  	[sflag:s8] =	ssyncset.s32 @!p0 $0xFFFFF086;
	s6 =	sadd.s32 @!p0 s3, s7;
	s7 =	simm.s32 @!p0 $0x108  }
0x21: {  	s3 =	sadd.s32 s3, s9;
	s6 =	sadd.s32 @!p0 $0x88, s6;
	s7 =	simm.s32 @p2 $0x1082  }
0x22: {  	[simem:s7], [sflag:s8] =	dma.local @!p0 [hbm:s6], $0xF7A  }
0x23: {  	s9 =	sor.u32 $0xD0000000, s2;
	s6 =	simm.s32 $0x108;
	_ =	swait.ge @!p0 [sflag:s8], $0x0  }
0x24: {  	s3 =	sadd.s32 $0x88, s3;
	s6 =	simm.s32 @!p1 $0x1082;
	[sflag:s4] =	ssyncset.s32 $0xFFFFF086  }
0x25: {  	[simem:s6], [sflag:s4] =	dma.local [hbm:s3], $0xF7A  }
0x26: {  	[smem:$0x3F9F] =	sst s1;
	(tag) =	ssettag s2;
	_ =	strace s9  }
0x27: {  	s1 =	sld [smem:$0x3FAF]  }
0x28: {  	s2 =	sld [smem:$0x3FB0]  }
0x29: {  	s4 =	sld [smem:$0x3FB2]  }
0x2a: {  	p0 =	seq.s32 s5, $0x0;
	s5 =	sld [smem:$0x3FB3]  }
0x2b: {  	s6 =	sld [smem:$0x3FB4]  }
0x2c: {  	s7 =	sld [smem:$0x3FB5]  }
0x2d: {  	s3 =	simm.s32 $0x108;
	s8 =	sld [smem:$0x3FB6]  }
0x2e: {  	s3 =	simm.s32 @!p0 $0x1082;
	s9 =	sld [smem:$0x3FB7]  }
0x2f: {  	lr =	sadd.s32 s0, s3;
	s0 =	sld [smem:$0x3FAE]  }
0x30: {  	s3 =	sld [smem:$0x3FB1]  }
0x31: {  	[smem:$0x3FBA] =	sst s10  }
0x32: {  	s10 =	sld [smem:$0x3FB8];
	_ =	sdelay $0x3  }
0x33: {  	p0 =	seq.s32 s10, $0x1;
	s10 =	sld [smem:$0x3FBA];
	_ =	sdelay $0x3  }
0x34: {  	[smem:$0x3FBA] =	sst s10  }
0x35: {  	s10 =	sld [smem:$0x3FB9];
	_ =	sdelay $0x3  }
0x36: {  	p1 =	seq.s32 s10, $0x1;
	s10 =	sld [smem:$0x3FBA];
	_ =	sdelay $0x3  }
0x37: {  	[smem:$0x3FBA] =	sst s10  }
0x38: {  	s10 =	sld [smem:$0x3FBB]  }
0x39: {  	_ = 	snop;
	(pc) =	sbr.ind lr, $3  }
0x3a: {  	_ = 	snop  }
0x3b: {  	_ = 	snop  }
0x3c: {  	p2 =	seq.s32 s10, $0x1;
	s10 =	sld [smem:$0x3FBA]  }
0x3d: {  	_ =	shalt  }
0x3e: {  	_ =	shalt  }
0x3f: {  	_ =	shalt  }
0x40: {  	_ =	shalt  }
0x41: {  	_ =	shalt  }
0x42: {  	_ =	shalt  }
0x43: {  	_ =	shalt  }
0x44: {  	_ =	shalt  }
0x45: {  	_ =	shalt  }
0x46: {  	_ =	shalt  }
0x47: {  	_ =	shalt  }
0x48: {  	_ =	shalt  }
0x49: {  	_ =	shalt  }
0x4a: {  	_ =	shalt  }
0x4b: {  	_ =	shalt  }
0x4c: {  	_ =	shalt  }
0x4d: {  	_ =	shalt  }
0x4e: {  	_ =	shalt  }
0x4f: {  	_ =	shalt  }
0x50: {  	_ =	shalt  }
0x51: {  	_ =	shalt  }
0x52: {  	_ =	shalt  }
0x53: {  	_ =	shalt  }
0x54: {  	_ =	shalt  }
0x55: {  	_ =	shalt  }
0x56: {  	_ =	shalt  }
0x57: {  	_ =	shalt  }
0x58: {  	_ =	shalt  }
0x59: {  	_ =	shalt  }
0x5a: {  	_ =	shalt  }
0x5b: {  	_ =	shalt  }
0x5c: {  	_ =	shalt  }
0x5d: {  	_ =	shalt  }
0x5e: {  	_ =	shalt  }
0x5f: {  	_ =	shalt  }
0x60: {  	_ =	shalt  }
0x61: {  	_ =	shalt  }
0x62: {  	_ =	shalt  }
0x63: {  	_ =	shalt  }
0x64: {  	_ =	shalt  }
0x65: {  	_ =	shalt  }
0x66: {  	_ =	shalt  }
0x67: {  	_ =	shalt  }
0x68: {  	_ =	shalt  }
0x69: {  	_ =	shalt  }
0x6a: {  	_ =	shalt  }
0x6b: {  	_ =	shalt  }
0x6c: {  	_ =	shalt  }
0x6d: {  	_ =	shalt  }
0x6e: {  	_ =	shalt  }
0x6f: {  	_ =	shalt  }
0x70: {  	_ =	shalt  }
0x71: {  	_ =	shalt  }
0x72: {  	_ =	shalt  }
0x73: {  	_ =	shalt  }
0x74: {  	_ =	shalt  }
0x75: {  	_ =	shalt  }
0x76: {  	_ =	shalt  }
0x77: {  	_ =	shalt  }
0x78: {  	_ =	shalt  }
0x79: {  	_ =	shalt  }
0x7a: {  	_ =	shalt  }
0x7b: {  	_ =	shalt  }
0x7c: {  	_ =	shalt  }
0x7d: {  	_ =	shalt  }
0x7e: {  	_ =	shalt  }
0x7f: {  	_ =	shalt  }
0x80: {  	_ =	shalt  }
0x81: {  	_ =	shalt  }
0x82: {  	_ =	shalt  }
0x83: {  	_ =	shalt  }
0x84: {  	_ =	shalt  }
0x85: {  	_ =	shalt  }
0x86: {  	_ =	shalt  }
0x87: {  	_ =	shalt  }
.Lfunc_end0:
.L_simem_size_0:
called_computation_lowered:
.L_overlay_start_0:
0x88: {  	s2 =	sld [smem:$0x3FD9]  }
0x89: {  	s3 =	sld [smem:$0x3FFE];
	_ =	sdelay $0x1  }
0x8a: {  	s1 =	srdreg.scid  }
0x8b: {  	s0 =	sand.u32 $0x1, s1  }
0x8c: {  	s17 =	sshll.u32 s0, $0xA;
	s2 =	sadd.s32 s3, s2  }
0x8d: {  	s2 =	sadd.s32 s2, s17  }
0x8e: {  	[smem:$0x3FC6] =	sst s2  }
0x8f: {  	_ = 	snop  }
0x90: {  	s2 =	sld [smem:$0x3FC9]  }
0x91: {  	s18 =	sld [smem:$0x3FD0];
	(tm) =	ssettm $0x1  }
0x92: {  	s4 =	sld [smem:$0x3FFB];
	_ =	sdelay $0x3  }
0x93: {  	_ =	strace s4  }
0x94: {  	s4 =	sld [smem:$0x3FFC];
	_ =	sdelay $0x3  }
0x95: {  	_ =	strace s4  }
0x96: {  	s4 =	sld [smem:$0x3FFD];
	_ =	sdelay $0x3  }
0x97: {  	_ =	strace s4  }
0x98: {  	_ =	strace $0x8FFFFFFF  }
0x99: {  	s19 =	sld [smem:$0x3FDB];
	_ =	sdelay $0x1  }
0x9a: {  	s5 =	simm.s32 $_scs_section_size  }
0x9b: {  	s6 =	simm.s32 $_size__tile_overlayer_lowered;
	s7 =	simm.s32 $_tile_overlayer_lowered  }
0x9c: {  	s22 =	simm.s32 $0x1BFF;
	s21 =	sshll.u32 s7, $0x1;
	s4 =	sadd.s32 s5, s19  }
0x9d: {  	s8 =	simm.s32 $0x0;
	s20 =	sshll.u32 s6, $0x1;
	s6 =	sadd.s32 s21, s4  }
0x9e: {  	[timem:s8], [sflag:s22] =	dma.local [hbm:s6], s20  }
0x9f: {  	_ =	swait.ge [sflag:s22], s20  }
0xa0: {  	s5 =	ssub.s32 $0x0, s20;
	[sflag:s22] =	ssyncset.done $0x0  }
0xa1: {  	[sflag:s22] =	ssyncadd.s32 s5;
	_ =	sdelay $0x1  }
0xa2: {  	s23 =	simm.s32 $0x1B8B  }
0xa3: {  	_ =	swait.ge [sflag:s23], $0x1  }
0xa4: {  	[sflag:s23] =	ssyncset.done $0x0  }
0xa5: {  	s25 =	simm.s32 $0x1B8E;
	s24 =	sld [smem:$0x3FFE];
	[sflag:s23] =	ssyncadd.s32 $0xFFFFFFFF  }
0xa6: {  	s26 =	simm.s32 $execute0_lowered;
	[smem:$0x3FD2] =	sst s25  }
0xa7: {  	s6 =	sshll.u32 s26, $0x1;
	_ =	strace $0x80000046;
	[dreg:$0x1] =	wrdreg $0xFFFFFFFF  }
0xa8: {  	s28 =	simm.s32 $_size_execute0_lowered;
	s4 =	sadd.s32 s4, s6;
	[dreg:$0x0] =	wrdreg $0x0  }
0xa9: {  	s6 =	sshll.u32 s28, $0x1;
	[dreg:$0x2] =	wrdreg s4  }
0xaa: {  	[dreg:$0x3] =	wrdreg s6  }
0xab: {  	[dreg:$0x4] =	wrdreg $0xC0  }
0xac: {  	_ =	task [dreg:s8], $0x5FFFF  }
0xad: {  	[dreg:$0x1] =	wrdreg $0xFFFFFFFF  }
0xae: {  	[dreg:$0x0] =	wrdreg $0x60  }
0xaf: {  	[dreg:$0x2] =	wrdreg s2  }
0xb0: {  	[dreg:$0x3] =	wrdreg s24  }
0xb1: {  	[dreg:$0x4] =	wrdreg s18  }
0xb2: {  	[dreg:$0x5] =	wrdreg $0x90000  }
0xb3: {  	[dreg:$0x6] =	wrdreg $0x9  }
0xb4: {  	_ =	task.clear_ibuf [dreg:s8], $0x7FFFF;
	_ =	strace $0x90000046  }
0xb5: {  	s29 =	simm.s32 $0x9;
	_ =	strace $0x80000048  }
0xb6: {  	_ =	swait.ge [sflag:s29], $0x1  }
0xb7: {  	[sflag:s29] =	ssyncadd.s32 $0xFFFFFFFF  }
0xb8: {  	_ =	strace $0x90000048  }
0xb9: {  	_ =	sfence  }
0xba: {  	s30 =	sld [smem:$0x0];
	_ =	sdelay $0x2  }
0xbb: {  	s31 =	sshll.u32 s1, $0xD;
	s1 =	sshrl.u32 s1, $0x2  }
0xbc: {  	s3 =	sand.u32 $0x4000, s31;
	s1 =	sadd.s32 s1, s30  }
0xbd: {  	s0 =	sor.u32 s3, s0;
	s1 =	sshll.u32 s1, $0x11  }
0xbe: {  	s0 =	sor.u32 s1, s0  }
0xbf: {  	s0 =	sadd.s32 $0x8F2B, s0  }
0xc0: {  	[sflag:s0] =	ssyncadd.remote.s32 $0x1  }
0xc1: {  	_ =	sfence.sel $0xFFFF  }
0xc2: {  	[dreg:$0x0] =	wrdreg $0xFFFFFFFF;
	(pc) =	sbr.abs _section_cstart, $3  }
0xc3: {  	[dreg:$0x1] =	wrdreg $0xFFFFFFFF  }
0xc4: {  	_ =	task.clear_ibuf [dreg:s8], $0x2FFFF;
	_ =	strace $0x9FFFFFFF  }
0xc5: {  	(tm) =	ssettm $0x7FFFFFFF  }
tec
execute0_lowered:
.L_overlay_start_1:
0x0: {  	(tag) =	ssettag $0x1  }
0x1: {  	s15 =	rddreg [dreg:$0x0]  }
0x2: {  	s9 =	rddreg [dreg:$0x1]  }
0x3: {  	s16 =	rddreg [dreg:$0x2]  }
0x4: {  	s2 =	rddreg [dreg:$0x3]  }
0x5: {  	s3 =	simm.s32 $0x0;
	s1 =	stileid.u32;
	s6 =	srdreg.scid  }
0x6: {  	s20 =	simm.s32 $0xF80;
	s21 =	simm.s32 $0x5000;
	s22 =	simm.s32 $0x0  }
0x7: {  	[smem:$0x7FF] =	sst s3;
	s7 =	smul.u32 $0x50000, s1;
	s4 =	sadd.s32 $0x1200, s9  }
0x8: {  	s5 =	sadd.s32 $0x28400, s9;
	s14 =	sand.u32 $0x1, s6;
	s12 =	smul.u32 $0xA000, s1  }
0x9: {  	s6 =	sadd.s32 $0x3C400, s9;
	s17 =	sadd.s32 $0x50C00, s9;
	s19 =	smul.u32 $0x2800, s1  }
0xa: {  	_ =	strace $0x80000047;
	s10 =	ssub.s32 $0x2, s14;
	p0 =	seq.s32 s14, $0x1  }
0xb: {  	p1 =	seq.s32 s14, $0x0;
	s8 =	sshrl.u32 s7, $0x2;
	s7 =	sadd.s32 $0x50400, s9  }
0xc: {  	s11 =	sshrl.u32 s10, $0x1;
	s16 =	smov.u32 @p0 s17;
	s4 =	smov.u32 @p1 s15  }
0xd: {  	s17 =	simm.s32 $0x3;
	s8 =	sadd.s32 s8, s2;
	s18 =	ssub.s32 s10, s11  }
0xe: {  	s15 =	sadd.s32 s16, s19;
	s16 =	simm.s32 $0x1000;
	s19 =	simm.s32 $0x2  }
0xf: {  	s9 =	sadd.s32 $0x4000, s8;
	s10 =	sadd.s32 $0x8000, s8;
	s11 =	sadd.s32 $0xC000, s8  }
0x10: {  	s13 =	sadd.s32 $0x10000, s8;
	s14 =	smax.u32 s18, $0x1;
	s18 =	simm.s32 $0x80  }
.LBB2_1:
0x11: {  	[tilespmem:s16], [sflag:$0x3] =	stream.linear.gather [hbm4b:s7+s3], $0x4000, $0x38;
	[tilespmem:$0x1D000] =	vst v63  }
0x12: {  	_ =	swait.ge [sflag:s17], $0x4000  }
0x13: {  	[sflag:s17] =	ssyncset.done $0x0  }
0x14: {  	[sflag:s17] =	ssyncadd.s32 $0xFFFFC000  }
0x15: {  	[spmem:s8] =	stream.linear.scatter [tilespmem:s16], [sflag:$0x3], $0x4000, $0x38;
	[tilespmem:$0x1D000] =	vst v63  }
0x16: {  	_ =	swait.ge [sflag:s17], $0x4000  }
0x17: {  	[sflag:s17] =	ssyncset.done $0x0  }
0x18: {  	[sflag:s17] =	ssyncadd.s32 $0xFFFFC000  }
0x19: {  	[spmem:s9] =	stream.linear.scatter [tilespmem:s16], [sflag:$0x3], $0x4000, $0x38;
	[tilespmem:$0x1D000] =	vst v63  }
0x1a: {  	_ =	swait.ge [sflag:s17], $0x4000  }
0x1b: {  	[sflag:s17] =	ssyncset.done $0x0  }
0x1c: {  	[sflag:s17] =	ssyncadd.s32 $0xFFFFC000  }
0x1d: {  	[spmem:s10] =	stream.linear.scatter [tilespmem:s16], [sflag:$0x3], $0x4000, $0x38;
	[tilespmem:$0x1D000] =	vst v63  }
0x1e: {  	_ =	swait.ge [sflag:s17], $0x4000  }
0x1f: {  	[sflag:s17] =	ssyncset.done $0x0  }
0x20: {  	[sflag:s17] =	ssyncadd.s32 $0xFFFFC000  }
0x21: {  	[spmem:s11] =	stream.linear.scatter [tilespmem:s16], [sflag:$0x3], $0x4000, $0x38;
	[tilespmem:$0x1D000] =	vst v63  }
0x22: {  	_ =	swait.ge [sflag:s17], $0x4000  }
0x23: {  	[sflag:s17] =	ssyncset.done $0x0  }
0x24: {  	[sflag:s17] =	ssyncadd.s32 $0xFFFFC000  }
0x25: {  	[spmem:s13] =	stream.linear.scatter [tilespmem:s16], [sflag:$0x3], $0x4000, $0x38;
	[tilespmem:$0x1D000] =	vst v63  }
0x26: {  	_ =	swait.ge [sflag:s17], $0x4000  }
0x27: {  	[sflag:s17] =	ssyncset.done $0x0  }
0x28: {  	[sflag:s17] =	ssyncadd.s32 $0xFFFFC000  }
0x29: {  	s23 =	simm.s32 $0x0;
	[bflag:$0x0] =	sbarrier.arrive $0xFFFF  }
.LBB2_2:
0x2a: {  	s24 =	sshll.u32 s23, $0xB  }
0x2b: {  	s24 =	sadd.s32 s12, s24  }
0x2c: {  	s24 =	sshrl.u32 s24, $0x3  }
0x2d: {  	s25 =	sadd.s32 s5, s24  }
0x2e: {  	[tilespmem:s3], [sflag:$0x3] =	stream.linear.gather [hbm4b:s25+s3], $0x800, $0x38;
	[tilespmem:$0x1D000] =	vst v63  }
0x2f: {  	_ =	swait.ge [sflag:s17], $0x800  }
0x30: {  	[sflag:s17] =	ssyncset.done $0x0  }
0x31: {  	s24 =	sadd.s32 s6, s24;
	s25 =	simm.s32 $0x800;
	[sflag:s17] =	ssyncadd.s32 $0xFFFFF800  }
0x32: {  	[tilespmem:s25], [sflag:$0x3] =	stream.linear.gather [hbm4b:s24+s3], $0x800, $0x38;
	[tilespmem:$0x1D000] =	vst v63  }
0x33: {  	s0 =	simm.s32 $0x80;
	s26 =	simm.s32 $0x1;
	_ =	swait.ge [sflag:s17], $0x800  }
0x34: {  	s28 =	simm.s32 $0x0;
	s26 =	sand.u32 $0x1, s26;
	[sflag:s17] =	ssyncset.done $0x0  }
0x35: {  	s28 =	sand.u32 $0x1, s28;
	s29 =	sshll.u32 s26, $0xE;
	[sflag:s17] =	ssyncadd.s32 $0xFFFFF800  }
0x36: {  	[tilespmem:s16], [sflag:$0x1] =	stream.indirect.gather [hbm4b:s4+s0], $0x80, s3, s0, $0xb8;
	[tilespmem:$0x1D000] =	vst v63  }
0x37: {  	s26 =	sadd.s32 $0x1, s26;
	s30 =	sadd.s32 $0x1, s28;
	s29 =	sor.u32 $0x1000, s29  }
0x38: {  	[tilespmem:s29], [sflag:s26] =	stream.indirect.gather [hbm4b:s4+s18], $0x80, s0, s18, $0xb8;
	[tilespmem:$0x1D000] =	vst v63  }
0x39: {  	s31 =	sshll.u32 s28, $0xE;
	_ =	swait.ge [sflag:s30], $0x4000  }
0x3a: {  	s28 =	simm.s32 $0x3;
	s26 =	simm.s32 $0x2;
	[sflag:s30] =	ssyncset.done $0x0  }
0x3b: {  	s24 =	sor.u32 $0x1000, s31;
	s29 =	sand.u32 $0x1, s26;
	[sflag:s30] =	ssyncadd.s32 $0xFFFFC000  }
0x3c: {  	[spmem:s2] =	stream.indirect.scatter.add.f32 [tilespmem:s24], [sflag:$0x3], $0x80, s25, s18, $0xb8;
	[tilespmem:$0x1D000] =	vst v63  }
0x3d: {  	s25 =	simm.s32 $0x100;
	s24 =	simm.s32 $0x880;
	_ =	swait.ge [sflag:s17], $0x4000  }
.LBB2_3:
0x3e: {  	s30 =	sadd.s32 $0xFFFFFFFF, s26;
	s31 =	sshll.u32 s29, $0xE  }
0x3f: {  	[sflag:s17] =	ssyncset.done $0x0;
	s26 =	smov.u32 s28;
	s29 =	sadd.s32 $0x1, s29  }
0x40: {  	p0 =	sne.s32 s28, $0xF;
	s30 =	sand.u32 $0x1, s30;
	s31 =	sor.u32 $0x1000, s31  }
0x41: {  	s0 =	sshll.u32 s30, $0xE;
	s30 =	sadd.s32 $0x1, s30;
	[sflag:s17] =	ssyncadd.s32 $0xFFFFC000  }
0x42: {  	[tilespmem:s31], [sflag:s29] =	stream.indirect.gather [hbm4b:s4+s18], $0x80, s25, s18, $0xb8;
	[tilespmem:$0x1D000] =	vst v63  }
.Ltmp0:
0x43: {  	s31 =	sadd.s32 $0x1, s28;
	_ =	swait.ge [sflag:s30], $0x4000;
	(pc) =	sbr.rel @p0 .LBB2_3-.Ltmp0, $4  }
0x44: {  	s0 =	sor.u32 $0x1000, s0;
	[sflag:s30] =	ssyncset.done $0x0  }
0x45: {  	s25 =	sadd.s32 $0x80, s25;
	s29 =	sand.u32 $0x1, s26;
	[sflag:s30] =	ssyncadd.s32 $0xFFFFC000  }
0x46: {  	[spmem:s2] =	stream.indirect.scatter.add.f32 [tilespmem:s0], [sflag:$0x3], $0x80, s24, s18, $0xb8;
	[tilespmem:$0x1D000] =	vst v63  }
0x47: {  	s28 =	smov.u32 s31;
	s24 =	sadd.s32 $0x80, s24;
	_ =	swait.ge [sflag:s17], $0x4000  }
0x48: {  	s0 =	sadd.s32 $0xFFFFFFFF, s26;
	s30 =	sshll.u32 s29, $0xE  }
0x49: {  	[sflag:s17] =	ssyncset.done $0x0;
	s28 =	sadd.s32 $0x1, s29;
	s0 =	sand.u32 $0x1, s0  }
0x4a: {  	s26 =	sor.u32 $0x1000, s30;
	[sflag:s17] =	ssyncadd.s32 $0xFFFFC000;
	s31 =	sadd.s32 $0x1, s0  }
0x4b: {  	[tilespmem:s26], [sflag:s28] =	stream.indirect.gather [hbm4b:s4+s18], $0x80, s25, s18, $0xb8;
	[tilespmem:$0x1D000] =	vst v63  }
0x4c: {  	_ =	swait.ge [sflag:s31], $0x4000  }
0x4d: {  	s0 =	sshll.u32 s0, $0xE;
	[sflag:s31] =	ssyncset.done $0x0  }
0x4e: {  	s0 =	sor.u32 $0x1000, s0;
	[sflag:s31] =	ssyncadd.s32 $0xFFFFC000  }
0x4f: {  	[spmem:s2] =	stream.indirect.scatter.add.f32 [tilespmem:s0], [sflag:$0x3], $0x80, s24, s18, $0xb8;
	[tilespmem:$0x1D000] =	vst v63  }
0x50: {  	_ =	swait.ge [sflag:s17], $0x4000  }
0x51: {  	[sflag:s17] =	ssyncset.done $0x0  }
0x52: {  	[sflag:s17] =	ssyncadd.s32 $0xFFFFC000  }
0x53: {  	s23 =	sadd.s32 $0x1, s23;
	_ =	swait.ge [sflag:s19], $0x4000  }
0x54: {  	p0 =	sne.s32 s23, $0x14;
	[sflag:s19] =	ssyncset.done $0x0  }
.Ltmp1:
0x55: {  	[sflag:s19] =	ssyncadd.s32 $0xFFFFC000;
	(pc) =	sbr.rel @p0 .LBB2_2-.Ltmp1, $4  }
0x56: {  	[spmem:s2] =	stream.indirect.scatter.add.f32 [tilespmem:s21], [sflag:$0x3], $0x80, s20, s18, $0xb8;
	[tilespmem:$0x1D000] =	vst v63  }
0x57: {  	_ =	swait.ge [sflag:s17], $0x4000  }
0x58: {  	[sflag:s17] =	ssyncset.done $0x0  }
0x59: {  	[sflag:s17] =	ssyncadd.s32 $0xFFFFC000  }
0x5a: {  	s22 =	sadd.s32 $0x1, s22  }
0x5b: {  	s0 =	sshll.u32 s1, $0x6;
	[bflag:$0x0] =	sbarrier.arrive $0xFFFF;
	p0 =	sne.s32 s22, s14  }
.Ltmp2:
0x5c: {  	s23 =	sshrl.u32 s8, $0x3;
	s0 =	sor.u32 $0x1C03, s0;
	(pc) =	sbr.rel @p0 .LBB2_1-.Ltmp2, $4  }
0x5d: {  	[hbm:s15], [sflag:s0] =	dma.local [spmem:s23], $0x2800  }
0x5e: {  	_ =	swait.ge [sflag:s17], $0x2800  }
0x5f: {  	[sflag:s17] =	ssyncset.done $0x0  }
0x60: {  	[sflag:s17] =	ssyncadd.s32 $0xFFFFD800  }
0x61: {  	_ =	sfence.sel $0x180000  }
0x62: {  	[bflag:$0x0] =	sbarrier.arrive $0xFFFF  }
0x63: {  	_ =	strace $0x90000047  }
0x64: {  	[bflag:$0x2] =	sbarrier.arrive $0xFFFF  }
0x65: {  	p0 =	sne.s32 s1, $0x0;
	s0 =	rddreg [dreg:$0x4]  }
0x66: {  	s0 =	sadd.s32 @!p0 $0x100000, s0  }
0x67: {  	[sflag:s0] =	ssyncadd.tile.s32 @!p0 $0x1;
	_ =	shalt  }
.Lfunc_end2:
_tile_overlayer_lowered:
.L_overlay_start_2:
0x68: {  	(tag) =	ssettag $0x2  }
0x69: {  	s0 =	rddreg [dreg:$0x0];
	s2 =	stileid.u32  }
0x6a: {  	s1 =	rddreg [dreg:$0x1];
	p0 =	sne.s32 s2, $0x0  }
0x6b: {  	s3 =	rddreg [dreg:$0x2];
	[bflag:$0x3] =	sbarrier.arrive $0xFFFF;
	s2 =	simm.s32 @!p0 $0x1C03  }
0x6c: {  	[timem:s3], [sflag:s2] =	dma.local @!p0 [hbm:s0], s1  }
0x6d: {  	s0 =	simm.s32 @!p0 $0x3  }
0x6e: {  	_ =	swait.ge @!p0 [sflag:s0], s1  }
0x6f: {  	s1 =	ssub.s32 @!p0 $0x0, s1;
	[sflag:s0] =	ssyncset.done @!p0 $0x0  }
0x70: {  	[sflag:s0] =	ssyncadd.s32 @!p0 s1  }
0x71: {  	[bflag:$0x3] =	sbarrier.arrive $0xFFFF  }
0x72: {  	_ =	shalt  }

</sc_bundles>
